<compile_context>
chip_gen: v7x
topology: tpu7x:2x2x1
jax: 0.10.2.dev20260603
libtpu: 0.0.44.dev20260713+nightly
codegen_flags: <defaults>
</compile_context>

<pallas_src>
import jax
import jax.numpy as jnp
from jax import lax
from jax.experimental import pallas as pl
from jax.experimental.pallas import tpu as pltpu
from jax.experimental.pallas import tpu_sc as plsc

VOCAB = 100000
HIDDEN = 16
BATCH = 1024


_NUM_CORES = 2
_NUM_SUBCORES = 16
_NUM_WORKERS = _NUM_CORES * _NUM_SUBCORES
_B_PER_W = BATCH // _NUM_WORKERS


def _gather_body(flat_hbm, idx_hbm, out_hbm, idx_v, cols_v, sem):
    wid = lax.axis_index("s") * _NUM_CORES + lax.axis_index("c")
    base = wid * _B_PER_W
    pltpu.sync_copy(idx_hbm.at[:, pl.ds(base, _B_PER_W)], idx_v)
    copies = [
        pltpu.async_copy(flat_hbm.at[idx_v.at[k]], cols_v.at[k], sem)
        for k in range(HIDDEN)
    ]
    for c in copies:
        c.wait()
    pltpu.sync_copy(cols_v, out_hbm.at[:, pl.ds(base, _B_PER_W)])


def _sc_gather_t(flat_table, idx_mat):
    mesh = plsc.VectorSubcoreMesh(core_axis_name="c", subcore_axis_name="s")
    return pl.kernel(
        _gather_body,
        out_type=jax.ShapeDtypeStruct((HIDDEN, BATCH), jnp.float32),
        mesh=mesh,
        scratch_types=[
            pltpu.VMEM((HIDDEN, _B_PER_W), jnp.int32),
            pltpu.VMEM((HIDDEN, _B_PER_W), jnp.float32),
            pltpu.SemaphoreType.DMA,
        ],
        compiler_params=pltpu.CompilerParams(use_tc_tiling_on_sc=False),
    )(flat_table, idx_mat)



_K = HIDDEN + 1
_VT = 2048
_NB = pl.cdiv(VOCAB, _VT)


def _proj_body(w_ref, ht_ref, o_ref):
    h17 = jnp.concatenate(
        [ht_ref[...].astype(jnp.bfloat16),
         jnp.ones((1, BATCH), jnp.bfloat16)], axis=0)
    o_ref[...] = lax.dot_general(
        w_ref[...], h17,
        (((0,), (0,)), ((), ())),
        preferred_element_type=jnp.float32,
    )


def _tc_project_t(w_aug, hidden_t):
    return pl.pallas_call(
        _proj_body,
        grid=(_NB,),
        in_specs=[
            pl.BlockSpec((_K, _VT), lambda j: (0, j)),
            pl.BlockSpec((HIDDEN, BATCH), lambda j: (0, 0)),
        ],
        out_specs=pl.BlockSpec((_VT, BATCH), lambda j: (j, 0)),
        out_shape=jax.ShapeDtypeStruct((VOCAB, BATCH), jnp.float32),
    )(w_aug, hidden_t)


def kernel(input_ids, embed_weight, proj_weight, proj_bias):
    ids = input_ids.astype(jnp.int32)
    flat_table = embed_weight.T.reshape(HIDDEN * VOCAB)
    idx_mat = ids[None, :] + (jnp.arange(HIDDEN, dtype=jnp.int32) * VOCAB)[:, None]
    hidden_t = _sc_gather_t(flat_table, idx_mat)
    w_aug = jnp.concatenate(
        [proj_weight.astype(jnp.bfloat16).T,
         proj_bias.astype(jnp.bfloat16).reshape(1, VOCAB)], axis=0)
    out_t = _tc_project_t(w_aug, hidden_t)
    return out_t.T

# --- scband reference (transcript-rebuilt; emitter-appended) ---
"""Pipeline reference for scband-toy-policy-5927054868639 (READ-ONLY COPY).

The authoritative reference and input builder live on the scoring server;
editing this copy changes nothing except your own understanding.
"""

import jax, jax.numpy as jnp
import numpy as np

VOCAB = 100000
HIDDEN = 16
BATCH = 1024

def setup_inputs(seed: int = 0) -> dict:
    key = jax.random.key(seed)
    k_ids, k_emb, k_w, k_b = jax.random.split(key, 4)
    input_ids = jax.random.randint(k_ids, (BATCH,), 0, VOCAB, dtype=jnp.int64 if jax.config.jax_enable_x64 else jnp.int32).astype(jnp.int32)
    # nn.Embedding weight: [vocab, hidden], init N(0,1)
    embed_weight = jax.random.normal(k_emb, (VOCAB, HIDDEN), dtype=jnp.float32)
    # nn.Linear(hidden, vocab): weight [vocab, hidden], bias [vocab], Kaiming-uniform-ish
    bound = 1.0 / np.sqrt(HIDDEN)
    proj_weight = jax.random.uniform(k_w, (VOCAB, HIDDEN), dtype=jnp.float32, minval=-bound, maxval=bound)
    proj_bias = jax.random.uniform(k_b, (VOCAB,), dtype=jnp.float32, minval=-bound, maxval=bound)
    return {"input_ids": input_ids, "embed_weight": embed_weight, "proj_weight": proj_weight, "proj_bias": proj_bias}

def reference(input_ids, embed_weight, proj_weight, proj_bias):
    # hidden = self.embed(input_ids)  -> gather rows from embedding table
    hidden = jnp.take(embed_weight, input_ids, axis=0)  # [B, H]
    # logits = self.proj(hidden)  -> x @ W.T + b
    logits = hidden @ proj_weight.T + proj_bias  # [B, vocab]
    return logits

if __name__ == "__main__":
    import jax
    _d = setup_inputs()
    print(jax.jit(kernel)(*tuple(_d.values())))

</pallas_src>

<mosaic_0001>
#map = affine_map<(d0, d1) -> (0)>
#map1 = affine_map<(d0, d1) -> (0, 0)>
module attributes {stable_mosaic.version = 14 : i64} {
  func.func @_gather_body(%arg0: i32, %arg1: i32, %arg2: memref<1600000xf32, #tpu.memory_space<hbm>>, %arg3: memref<16x1024xi32, #tpu.memory_space<hbm>>, %arg4: memref<16x1024xf32, #tpu.memory_space<hbm>>, %arg5: memref<16x32xi32, #tpu.memory_space<vmem>>, %arg6: memref<16x32xf32, #tpu.memory_space<vmem>>, %arg7: memref<!tpu.dma_semaphore, #tpu.memory_space<semaphore_mem>>) attributes {dimension_semantics = [#tpu.dimension_semantics<core_parallel>, #tpu.dimension_semantics<subcore_parallel>], iteration_bounds = array<i64: 2, 16>, scalar_prefetch = 0 : i64, scratch_operands = 3 : i64, tpu.core_type = #tpu.core_type<sc_vector_subcore>, window_params = [{transform_indices = #map}, {transform_indices = #map1}, {transform_indices = #map1}]} {
    %mul3A = arith.constant 2 : i32
    %mul3A_0 = arith.muli %arg1, %mul3A : i32
    %add3A = arith.addi %mul3A_0, %arg0 : i32
    %mul3A_1 = arith.constant 32 : i32
    %mul3A_2 = arith.muli %add3A, %mul3A_1 : i32
    "tpu.region"() ({
      %run_scoped3A = tpu.sem_alloc : memref<!tpu.dma_semaphore, #tpu.memory_space<semaphore_mem>>
      %dma_start3A_321 = arith.constant 0 : i32
      %dma_start3A_322 = tpu.memref_slice %arg3[%dma_start3A_321, %mul3A_2] : memref<16x1024xi32, #tpu.memory_space<hbm>> -> memref<16x32xi32, #tpu.memory_space<hbm>>
      %dma_start3A_323 = arith.constant 0 : i32
      %dma_start3A_324 = tpu.memref_slice %arg3[%dma_start3A_323, %mul3A_2] : memref<16x1024xi32, #tpu.memory_space<hbm>> -> memref<16x32xi32, #tpu.memory_space<hbm>>
      tpu.enqueue_dma source(%dma_start3A_324 : memref<16x32xi32, #tpu.memory_space<hbm>>) target(%arg5 : memref<16x32xi32, #tpu.memory_space<vmem>>) target_semaphore(%run_scoped3A : memref<!tpu.dma_semaphore, #tpu.memory_space<semaphore_mem>>)
      %dma_wait3A_325 = arith.constant 0 : i32
      %dma_wait3A_326 = tpu.memref_slice %arg3[%dma_wait3A_325, %mul3A_2] : memref<16x1024xi32, #tpu.memory_space<hbm>> -> memref<16x32xi32, #tpu.memory_space<hbm>>
      %dma_wait3A_327 = arith.constant 0 : i32
      %dma_wait3A_328 = tpu.memref_slice %arg3[%dma_wait3A_327, %mul3A_2] : memref<16x1024xi32, #tpu.memory_space<hbm>> -> memref<16x32xi32, #tpu.memory_space<hbm>>
      tpu.wait_dma2 semaphore(%run_scoped3A : memref<!tpu.dma_semaphore, #tpu.memory_space<semaphore_mem>>) src(%dma_wait3A_328 : memref<16x32xi32, #tpu.memory_space<hbm>>) dst(%arg5 : memref<16x32xi32, #tpu.memory_space<vmem>>)
      tpu.yield
    }) : () -> ()
    %dma_start3A = arith.constant 0 : i32
    %dma_start3A_3 = arith.constant 0 : i32
    %dma_start3A_4 = arith.constant 0 : i32
    %dma_start3A_5 = tpu.memref_slice %arg6[%dma_start3A_3, %dma_start3A_4] : memref<16x32xf32, #tpu.memory_space<vmem>> -> memref<1x32xf32, #tpu.memory_space<vmem>>
    %dma_start3A_6 = tpu.memref_squeeze %dma_start3A_5 : memref<1x32xf32, #tpu.memory_space<vmem>> -> memref<32xf32, #tpu.memory_space<vmem>>
    %dma_start3A_7 = arith.constant 0 : i32
    %dma_start3A_8 = tpu.memref_slice %arg5[%dma_start3A, %dma_start3A_7] : memref<16x32xi32, #tpu.memory_space<vmem>> -> memref<1x32xi32, #tpu.memory_space<vmem>>
    %dma_start3A_9 = tpu.memref_squeeze %dma_start3A_8 : memref<1x32xi32, #tpu.memory_space<vmem>> -> memref<32xi32, #tpu.memory_space<vmem>>
    %dma_start3A_10 = arith.constant 0 : i32
    %dma_start3A_11 = tpu.memref_slice %arg2[%dma_start3A_10] : memref<1600000xf32, #tpu.memory_space<hbm>> -> memref<1600000xf32, #tpu.memory_space<hbm>>
    tpu.enqueue_indirect_dma source(%dma_start3A_11 : memref<1600000xf32, #tpu.memory_space<hbm>>) target(%dma_start3A_6 : memref<32xf32, #tpu.memory_space<vmem>>) offsets(%dma_start3A_9 : memref<32xi32, #tpu.memory_space<vmem>>) semaphore(%arg7 : memref<!tpu.dma_semaphore, #tpu.memory_space<semaphore_mem>>)
    %dma_start3A_12 = arith.constant 1 : i32
    %dma_start3A_13 = arith.constant 1 : i32
    %dma_start3A_14 = arith.constant 0 : i32
    %dma_start3A_15 = tpu.memref_slice %arg6[%dma_start3A_13, %dma_start3A_14] : memref<16x32xf32, #tpu.memory_space<vmem>> -> memref<1x32xf32, #tpu.memory_space<vmem>>
    %dma_start3A_16 = tpu.memref_squeeze %dma_start3A_15 : memref<1x32xf32, #tpu.memory_space<vmem>> -> memref<32xf32, #tpu.memory_space<vmem>>
    %dma_start3A_17 = arith.constant 0 : i32
    %dma_start3A_18 = tpu.memref_slice %arg5[%dma_start3A_12, %dma_start3A_17] : memref<16x32xi32, #tpu.memory_space<vmem>> -> memref<1x32xi32, #tpu.memory_space<vmem>>
    %dma_start3A_19 = tpu.memref_squeeze %dma_start3A_18 : memref<1x32xi32, #tpu.memory_space<vmem>> -> memref<32xi32, #tpu.memory_space<vmem>>
    %dma_start3A_20 = arith.constant 0 : i32
    %dma_start3A_21 = tpu.memref_slice %arg2[%dma_start3A_20] : memref<1600000xf32, #tpu.memory_space<hbm>> -> memref<1600000xf32, #tpu.memory_space<hbm>>
    tpu.enqueue_indirect_dma source(%dma_start3A_21 : memref<1600000xf32, #tpu.memory_space<hbm>>) target(%dma_start3A_16 : memref<32xf32, #tpu.memory_space<vmem>>) offsets(%dma_start3A_19 : memref<32xi32, #tpu.memory_space<vmem>>) semaphore(%arg7 : memref<!tpu.dma_semaphore, #tpu.memory_space<semaphore_mem>>)
    %dma_start3A_22 = arith.constant 2 : i32
    %dma_start3A_23 = arith.constant 2 : i32
    %dma_start3A_24 = arith.constant 0 : i32
    %dma_start3A_25 = tpu.memref_slice %arg6[%dma_start3A_23, %dma_start3A_24] : memref<16x32xf32, #tpu.memory_space<vmem>> -> memref<1x32xf32, #tpu.memory_space<vmem>>
    %dma_start3A_26 = tpu.memref_squeeze %dma_start3A_25 : memref<1x32xf32, #tpu.memory_space<vmem>> -> memref<32xf32, #tpu.memory_space<vmem>>
    %dma_start3A_27 = arith.constant 0 : i32
    %dma_start3A_28 = tpu.memref_slice %arg5[%dma_start3A_22, %dma_start3A_27] : memref<16x32xi32, #tpu.memory_space<vmem>> -> memref<1x32xi32, #tpu.memory_space<vmem>>
    %dma_start3A_29 = tpu.memref_squeeze %dma_start3A_28 : memref<1x32xi32, #tpu.memory_space<vmem>> -> memref<32xi32, #tpu.memory_space<vmem>>
    %dma_start3A_30 = arith.constant 0 : i32
    %dma_start3A_31 = tpu.memref_slice %arg2[%dma_start3A_30] : memref<1600000xf32, #tpu.memory_space<hbm>> -> memref<1600000xf32, #tpu.memory_space<hbm>>
    tpu.enqueue_indirect_dma source(%dma_start3A_31 : memref<1600000xf32, #tpu.memory_space<hbm>>) target(%dma_start3A_26 : memref<32xf32, #tpu.memory_space<vmem>>) offsets(%dma_start3A_29 : memref<32xi32, #tpu.memory_space<vmem>>) semaphore(%arg7 : memref<!tpu.dma_semaphore, #tpu.memory_space<semaphore_mem>>)
    %dma_start3A_32 = arith.constant 3 : i32
    %dma_start3A_33 = arith.constant 3 : i32
    %dma_start3A_34 = arith.constant 0 : i32
    %dma_start3A_35 = tpu.memref_slice %arg6[%dma_start3A_33, %dma_start3A_34] : memref<16x32xf32, #tpu.memory_space<vmem>> -> memref<1x32xf32, #tpu.memory_space<vmem>>
    %dma_start3A_36 = tpu.memref_squeeze %dma_start3A_35 : memref<1x32xf32, #tpu.memory_space<vmem>> -> memref<32xf32, #tpu.memory_space<vmem>>
    %dma_start3A_37 = arith.constant 0 : i32
    %dma_start3A_38 = tpu.memref_slice %arg5[%dma_start3A_32, %dma_start3A_37] : memref<16x32xi32, #tpu.memory_space<vmem>> -> memref<1x32xi32, #tpu.memory_space<vmem>>
    %dma_start3A_39 = tpu.memref_squeeze %dma_start3A_38 : memref<1x32xi32, #tpu.memory_space<vmem>> -> memref<32xi32, #tpu.memory_space<vmem>>
    %dma_start3A_40 = arith.constant 0 : i32
    %dma_start3A_41 = tpu.memref_slice %arg2[%dma_start3A_40] : memref<1600000xf32, #tpu.memory_space<hbm>> -> memref<1600000xf32, #tpu.memory_space<hbm>>
    tpu.enqueue_indirect_dma source(%dma_start3A_41 : memref<1600000xf32, #tpu.memory_space<hbm>>) target(%dma_start3A_36 : memref<32xf32, #tpu.memory_space<vmem>>) offsets(%dma_start3A_39 : memref<32xi32, #tpu.memory_space<vmem>>) semaphore(%arg7 : memref<!tpu.dma_semaphore, #tpu.memory_space<semaphore_mem>>)
    %dma_start3A_42 = arith.constant 4 : i32
    %dma_start3A_43 = arith.constant 4 : i32
    %dma_start3A_44 = arith.constant 0 : i32
    %dma_start3A_45 = tpu.memref_slice %arg6[%dma_start3A_43, %dma_start3A_44] : memref<16x32xf32, #tpu.memory_space<vmem>> -> memref<1x32xf32, #tpu.memory_space<vmem>>
    %dma_start3A_46 = tpu.memref_squeeze %dma_start3A_45 : memref<1x32xf32, #tpu.memory_space<vmem>> -> memref<32xf32, #tpu.memory_space<vmem>>
    %dma_start3A_47 = arith.constant 0 : i32
    %dma_start3A_48 = tpu.memref_slice %arg5[%dma_start3A_42, %dma_start3A_47] : memref<16x32xi32, #tpu.memory_space<vmem>> -> memref<1x32xi32, #tpu.memory_space<vmem>>
    %dma_start3A_49 = tpu.memref_squeeze %dma_start3A_48 : memref<1x32xi32, #tpu.memory_space<vmem>> -> memref<32xi32, #tpu.memory_space<vmem>>
    %dma_start3A_50 = arith.constant 0 : i32
    %dma_start3A_51 = tpu.memref_slice %arg2[%dma_start3A_50] : memref<1600000xf32, #tpu.memory_space<hbm>> -> memref<1600000xf32, #tpu.memory_space<hbm>>
    tpu.enqueue_indirect_dma source(%dma_start3A_51 : memref<1600000xf32, #tpu.memory_space<hbm>>) target(%dma_start3A_46 : memref<32xf32, #tpu.memory_space<vmem>>) offsets(%dma_start3A_49 : memref<32xi32, #tpu.memory_space<vmem>>) semaphore(%arg7 : memref<!tpu.dma_semaphore, #tpu.memory_space<semaphore_mem>>)
    %dma_start3A_52 = arith.constant 5 : i32
    %dma_start3A_53 = arith.constant 5 : i32
    %dma_start3A_54 = arith.constant 0 : i32
    %dma_start3A_55 = tpu.memref_slice %arg6[%dma_start3A_53, %dma_start3A_54] : memref<16x32xf32, #tpu.memory_space<vmem>> -> memref<1x32xf32, #tpu.memory_space<vmem>>
    %dma_start3A_56 = tpu.memref_squeeze %dma_start3A_55 : memref<1x32xf32, #tpu.memory_space<vmem>> -> memref<32xf32, #tpu.memory_space<vmem>>
    %dma_start3A_57 = arith.constant 0 : i32
    %dma_start3A_58 = tpu.memref_slice %arg5[%dma_start3A_52, %dma_start3A_57] : memref<16x32xi32, #tpu.memory_space<vmem>> -> memref<1x32xi32, #tpu.memory_space<vmem>>
    %dma_start3A_59 = tpu.memref_squeeze %dma_start3A_58 : memref<1x32xi32, #tpu.memory_space<vmem>> -> memref<32xi32, #tpu.memory_space<vmem>>
    %dma_start3A_60 = arith.constant 0 : i32
    %dma_start3A_61 = tpu.memref_slice %arg2[%dma_start3A_60] : memref<1600000xf32, #tpu.memory_space<hbm>> -> memref<1600000xf32, #tpu.memory_space<hbm>>
    tpu.enqueue_indirect_dma source(%dma_start3A_61 : memref<1600000xf32, #tpu.memory_space<hbm>>) target(%dma_start3A_56 : memref<32xf32, #tpu.memory_space<vmem>>) offsets(%dma_start3A_59 : memref<32xi32, #tpu.memory_space<vmem>>) semaphore(%arg7 : memref<!tpu.dma_semaphore, #tpu.memory_space<semaphore_mem>>)
    %dma_start3A_62 = arith.constant 6 : i32
    %dma_start3A_63 = arith.constant 6 : i32
    %dma_start3A_64 = arith.constant 0 : i32
    %dma_start3A_65 = tpu.memref_slice %arg6[%dma_start3A_63, %dma_start3A_64] : memref<16x32xf32, #tpu.memory_space<vmem>> -> memref<1x32xf32, #tpu.memory_space<vmem>>
    %dma_start3A_66 = tpu.memref_squeeze %dma_start3A_65 : memref<1x32xf32, #tpu.memory_space<vmem>> -> memref<32xf32, #tpu.memory_space<vmem>>
    %dma_start3A_67 = arith.constant 0 : i32
    %dma_start3A_68 = tpu.memref_slice %arg5[%dma_start3A_62, %dma_start3A_67] : memref<16x32xi32, #tpu.memory_space<vmem>> -> memref<1x32xi32, #tpu.memory_space<vmem>>
    %dma_start3A_69 = tpu.memref_squeeze %dma_start3A_68 : memref<1x32xi32, #tpu.memory_space<vmem>> -> memref<32xi32, #tpu.memory_space<vmem>>
    %dma_start3A_70 = arith.constant 0 : i32
    %dma_start3A_71 = tpu.memref_slice %arg2[%dma_start3A_70] : memref<1600000xf32, #tpu.memory_space<hbm>> -> memref<1600000xf32, #tpu.memory_space<hbm>>
    tpu.enqueue_indirect_dma source(%dma_start3A_71 : memref<1600000xf32, #tpu.memory_space<hbm>>) target(%dma_start3A_66 : memref<32xf32, #tpu.memory_space<vmem>>) offsets(%dma_start3A_69 : memref<32xi32, #tpu.memory_space<vmem>>) semaphore(%arg7 : memref<!tpu.dma_semaphore, #tpu.memory_space<semaphore_mem>>)
    %dma_start3A_72 = arith.constant 7 : i32
    %dma_start3A_73 = arith.constant 7 : i32
    %dma_start3A_74 = arith.constant 0 : i32
    %dma_start3A_75 = tpu.memref_slice %arg6[%dma_start3A_73, %dma_start3A_74] : memref<16x32xf32, #tpu.memory_space<vmem>> -> memref<1x32xf32, #tpu.memory_space<vmem>>
    %dma_start3A_76 = tpu.memref_squeeze %dma_start3A_75 : memref<1x32xf32, #tpu.memory_space<vmem>> -> memref<32xf32, #tpu.memory_space<vmem>>
    %dma_start3A_77 = arith.constant 0 : i32
    %dma_start3A_78 = tpu.memref_slice %arg5[%dma_start3A_72, %dma_start3A_77] : memref<16x32xi32, #tpu.memory_space<vmem>> -> memref<1x32xi32, #tpu.memory_space<vmem>>
    %dma_start3A_79 = tpu.memref_squeeze %dma_start3A_78 : memref<1x32xi32, #tpu.memory_space<vmem>> -> memref<32xi32, #tpu.memory_space<vmem>>
    %dma_start3A_80 = arith.constant 0 : i32
    %dma_start3A_81 = tpu.memref_slice %arg2[%dma_start3A_80] : memref<1600000xf32, #tpu.memory_space<hbm>> -> memref<1600000xf32, #tpu.memory_space<hbm>>
    tpu.enqueue_indirect_dma source(%dma_start3A_81 : memref<1600000xf32, #tpu.memory_space<hbm>>) target(%dma_start3A_76 : memref<32xf32, #tpu.memory_space<vmem>>) offsets(%dma_start3A_79 : memref<32xi32, #tpu.memory_space<vmem>>) semaphore(%arg7 : memref<!tpu.dma_semaphore, #tpu.memory_space<semaphore_mem>>)
    %dma_start3A_82 = arith.constant 8 : i32
    %dma_start3A_83 = arith.constant 8 : i32
    %dma_start3A_84 = arith.constant 0 : i32
    %dma_start3A_85 = tpu.memref_slice %arg6[%dma_start3A_83, %dma_start3A_84] : memref<16x32xf32, #tpu.memory_space<vmem>> -> memref<1x32xf32, #tpu.memory_space<vmem>>
    %dma_start3A_86 = tpu.memref_squeeze %dma_start3A_85 : memref<1x32xf32, #tpu.memory_space<vmem>> -> memref<32xf32, #tpu.memory_space<vmem>>
    %dma_start3A_87 = arith.constant 0 : i32
    %dma_start3A_88 = tpu.memref_slice %arg5[%dma_start3A_82, %dma_start3A_87] : memref<16x32xi32, #tpu.memory_space<vmem>> -> memref<1x32xi32, #tpu.memory_space<vmem>>
    %dma_start3A_89 = tpu.memref_squeeze %dma_start3A_88 : memref<1x32xi32, #tpu.memory_space<vmem>> -> memref<32xi32, #tpu.memory_space<vmem>>
    %dma_start3A_90 = arith.constant 0 : i32
    %dma_start3A_91 = tpu.memref_slice %arg2[%dma_start3A_90] : memref<1600000xf32, #tpu.memory_space<hbm>> -> memref<1600000xf32, #tpu.memory_space<hbm>>
    tpu.enqueue_indirect_dma source(%dma_start3A_91 : memref<1600000xf32, #tpu.memory_space<hbm>>) target(%dma_start3A_86 : memref<32xf32, #tpu.memory_space<vmem>>) offsets(%dma_start3A_89 : memref<32xi32, #tpu.memory_space<vmem>>) semaphore(%arg7 : memref<!tpu.dma_semaphore, #tpu.memory_space<semaphore_mem>>)
    %dma_start3A_92 = arith.constant 9 : i32
    %dma_start3A_93 = arith.constant 9 : i32
    %dma_start3A_94 = arith.constant 0 : i32
    %dma_start3A_95 = tpu.memref_slice %arg6[%dma_start3A_93, %dma_start3A_94] : memref<16x32xf32, #tpu.memory_space<vmem>> -> memref<1x32xf32, #tpu.memory_space<vmem>>
    %dma_start3A_96 = tpu.memref_squeeze %dma_start3A_95 : memref<1x32xf32, #tpu.memory_space<vmem>> -> memref<32xf32, #tpu.memory_space<vmem>>
    %dma_start3A_97 = arith.constant 0 : i32
    %dma_start3A_98 = tpu.memref_slice %arg5[%dma_start3A_92, %dma_start3A_97] : memref<16x32xi32, #tpu.memory_space<vmem>> -> memref<1x32xi32, #tpu.memory_space<vmem>>
    %dma_start3A_99 = tpu.memref_squeeze %dma_start3A_98 : memref<1x32xi32, #tpu.memory_space<vmem>> -> memref<32xi32, #tpu.memory_space<vmem>>
    %dma_start3A_100 = arith.constant 0 : i32
    %dma_start3A_101 = tpu.memref_slice %arg2[%dma_start3A_100] : memref<1600000xf32, #tpu.memory_space<hbm>> -> memref<1600000xf32, #tpu.memory_space<hbm>>
    tpu.enqueue_indirect_dma source(%dma_start3A_101 : memref<1600000xf32, #tpu.memory_space<hbm>>) target(%dma_start3A_96 : memref<32xf32, #tpu.memory_space<vmem>>) offsets(%dma_start3A_99 : memref<32xi32, #tpu.memory_space<vmem>>) semaphore(%arg7 : memref<!tpu.dma_semaphore, #tpu.memory_space<semaphore_mem>>)
    %dma_start3A_102 = arith.constant 10 : i32
    %dma_start3A_103 = arith.constant 10 : i32
    %dma_start3A_104 = arith.constant 0 : i32
    %dma_start3A_105 = tpu.memref_slice %arg6[%dma_start3A_103, %dma_start3A_104] : memref<16x32xf32, #tpu.memory_space<vmem>> -> memref<1x32xf32, #tpu.memory_space<vmem>>
    %dma_start3A_106 = tpu.memref_squeeze %dma_start3A_105 : memref<1x32xf32, #tpu.memory_space<vmem>> -> memref<32xf32, #tpu.memory_space<vmem>>
    %dma_start3A_107 = arith.constant 0 : i32
    %dma_start3A_108 = tpu.memref_slice %arg5[%dma_start3A_102, %dma_start3A_107] : memref<16x32xi32, #tpu.memory_space<vmem>> -> memref<1x32xi32, #tpu.memory_space<vmem>>
    %dma_start3A_109 = tpu.memref_squeeze %dma_start3A_108 : memref<1x32xi32, #tpu.memory_space<vmem>> -> memref<32xi32, #tpu.memory_space<vmem>>
    %dma_start3A_110 = arith.constant 0 : i32
    %dma_start3A_111 = tpu.memref_slice %arg2[%dma_start3A_110] : memref<1600000xf32, #tpu.memory_space<hbm>> -> memref<1600000xf32, #tpu.memory_space<hbm>>
    tpu.enqueue_indirect_dma source(%dma_start3A_111 : memref<1600000xf32, #tpu.memory_space<hbm>>) target(%dma_start3A_106 : memref<32xf32, #tpu.memory_space<vmem>>) offsets(%dma_start3A_109 : memref<32xi32, #tpu.memory_space<vmem>>) semaphore(%arg7 : memref<!tpu.dma_semaphore, #tpu.memory_space<semaphore_mem>>)
    %dma_start3A_112 = arith.constant 11 : i32
    %dma_start3A_113 = arith.constant 11 : i32
    %dma_start3A_114 = arith.constant 0 : i32
    %dma_start3A_115 = tpu.memref_slice %arg6[%dma_start3A_113, %dma_start3A_114] : memref<16x32xf32, #tpu.memory_space<vmem>> -> memref<1x32xf32, #tpu.memory_space<vmem>>
    %dma_start3A_116 = tpu.memref_squeeze %dma_start3A_115 : memref<1x32xf32, #tpu.memory_space<vmem>> -> memref<32xf32, #tpu.memory_space<vmem>>
    %dma_start3A_117 = arith.constant 0 : i32
    %dma_start3A_118 = tpu.memref_slice %arg5[%dma_start3A_112, %dma_start3A_117] : memref<16x32xi32, #tpu.memory_space<vmem>> -> memref<1x32xi32, #tpu.memory_space<vmem>>
    %dma_start3A_119 = tpu.memref_squeeze %dma_start3A_118 : memref<1x32xi32, #tpu.memory_space<vmem>> -> memref<32xi32, #tpu.memory_space<vmem>>
    %dma_start3A_120 = arith.constant 0 : i32
    %dma_start3A_121 = tpu.memref_slice %arg2[%dma_start3A_120] : memref<1600000xf32, #tpu.memory_space<hbm>> -> memref<1600000xf32, #tpu.memory_space<hbm>>
    tpu.enqueue_indirect_dma source(%dma_start3A_121 : memref<1600000xf32, #tpu.memory_space<hbm>>) target(%dma_start3A_116 : memref<32xf32, #tpu.memory_space<vmem>>) offsets(%dma_start3A_119 : memref<32xi32, #tpu.memory_space<vmem>>) semaphore(%arg7 : memref<!tpu.dma_semaphore, #tpu.memory_space<semaphore_mem>>)
    %dma_start3A_122 = arith.constant 12 : i32
    %dma_start3A_123 = arith.constant 12 : i32
    %dma_start3A_124 = arith.constant 0 : i32
    %dma_start3A_125 = tpu.memref_slice %arg6[%dma_start3A_123, %dma_start3A_124] : memref<16x32xf32, #tpu.memory_space<vmem>> -> memref<1x32xf32, #tpu.memory_space<vmem>>
    %dma_start3A_126 = tpu.memref_squeeze %dma_start3A_125 : memref<1x32xf32, #tpu.memory_space<vmem>> -> memref<32xf32, #tpu.memory_space<vmem>>
    %dma_start3A_127 = arith.constant 0 : i32
    %dma_start3A_128 = tpu.memref_slice %arg5[%dma_start3A_122, %dma_start3A_127] : memref<16x32xi32, #tpu.memory_space<vmem>> -> memref<1x32xi32, #tpu.memory_space<vmem>>
    %dma_start3A_129 = tpu.memref_squeeze %dma_start3A_128 : memref<1x32xi32, #tpu.memory_space<vmem>> -> memref<32xi32, #tpu.memory_space<vmem>>
    %dma_start3A_130 = arith.constant 0 : i32
    %dma_start3A_131 = tpu.memref_slice %arg2[%dma_start3A_130] : memref<1600000xf32, #tpu.memory_space<hbm>> -> memref<1600000xf32, #tpu.memory_space<hbm>>
    tpu.enqueue_indirect_dma source(%dma_start3A_131 : memref<1600000xf32, #tpu.memory_space<hbm>>) target(%dma_start3A_126 : memref<32xf32, #tpu.memory_space<vmem>>) offsets(%dma_start3A_129 : memref<32xi32, #tpu.memory_space<vmem>>) semaphore(%arg7 : memref<!tpu.dma_semaphore, #tpu.memory_space<semaphore_mem>>)
    %dma_start3A_132 = arith.constant 13 : i32
    %dma_start3A_133 = arith.constant 13 : i32
    %dma_start3A_134 = arith.constant 0 : i32
    %dma_start3A_135 = tpu.memref_slice %arg6[%dma_start3A_133, %dma_start3A_134] : memref<16x32xf32, #tpu.memory_space<vmem>> -> memref<1x32xf32, #tpu.memory_space<vmem>>
    %dma_start3A_136 = tpu.memref_squeeze %dma_start3A_135 : memref<1x32xf32, #tpu.memory_space<vmem>> -> memref<32xf32, #tpu.memory_space<vmem>>
    %dma_start3A_137 = arith.constant 0 : i32
    %dma_start3A_138 = tpu.memref_slice %arg5[%dma_start3A_132, %dma_start3A_137] : memref<16x32xi32, #tpu.memory_space<vmem>> -> memref<1x32xi32, #tpu.memory_space<vmem>>
    %dma_start3A_139 = tpu.memref_squeeze %dma_start3A_138 : memref<1x32xi32, #tpu.memory_space<vmem>> -> memref<32xi32, #tpu.memory_space<vmem>>
    %dma_start3A_140 = arith.constant 0 : i32
    %dma_start3A_141 = tpu.memref_slice %arg2[%dma_start3A_140] : memref<1600000xf32, #tpu.memory_space<hbm>> -> memref<1600000xf32, #tpu.memory_space<hbm>>
    tpu.enqueue_indirect_dma source(%dma_start3A_141 : memref<1600000xf32, #tpu.memory_space<hbm>>) target(%dma_start3A_136 : memref<32xf32, #tpu.memory_space<vmem>>) offsets(%dma_start3A_139 : memref<32xi32, #tpu.memory_space<vmem>>) semaphore(%arg7 : memref<!tpu.dma_semaphore, #tpu.memory_space<semaphore_mem>>)
    %dma_start3A_142 = arith.constant 14 : i32
    %dma_start3A_143 = arith.constant 14 : i32
    %dma_start3A_144 = arith.constant 0 : i32
    %dma_start3A_145 = tpu.memref_slice %arg6[%dma_start3A_143, %dma_start3A_144] : memref<16x32xf32, #tpu.memory_space<vmem>> -> memref<1x32xf32, #tpu.memory_space<vmem>>
    %dma_start3A_146 = tpu.memref_squeeze %dma_start3A_145 : memref<1x32xf32, #tpu.memory_space<vmem>> -> memref<32xf32, #tpu.memory_space<vmem>>
    %dma_start3A_147 = arith.constant 0 : i32
    %dma_start3A_148 = tpu.memref_slice %arg5[%dma_start3A_142, %dma_start3A_147] : memref<16x32xi32, #tpu.memory_space<vmem>> -> memref<1x32xi32, #tpu.memory_space<vmem>>
    %dma_start3A_149 = tpu.memref_squeeze %dma_start3A_148 : memref<1x32xi32, #tpu.memory_space<vmem>> -> memref<32xi32, #tpu.memory_space<vmem>>
    %dma_start3A_150 = arith.constant 0 : i32
    %dma_start3A_151 = tpu.memref_slice %arg2[%dma_start3A_150] : memref<1600000xf32, #tpu.memory_space<hbm>> -> memref<1600000xf32, #tpu.memory_space<hbm>>
    tpu.enqueue_indirect_dma source(%dma_start3A_151 : memref<1600000xf32, #tpu.memory_space<hbm>>) target(%dma_start3A_146 : memref<32xf32, #tpu.memory_space<vmem>>) offsets(%dma_start3A_149 : memref<32xi32, #tpu.memory_space<vmem>>) semaphore(%arg7 : memref<!tpu.dma_semaphore, #tpu.memory_space<semaphore_mem>>)
    %dma_start3A_152 = arith.constant 15 : i32
    %dma_start3A_153 = arith.constant 15 : i32
    %dma_start3A_154 = arith.constant 0 : i32
    %dma_start3A_155 = tpu.memref_slice %arg6[%dma_start3A_153, %dma_start3A_154] : memref<16x32xf32, #tpu.memory_space<vmem>> -> memref<1x32xf32, #tpu.memory_space<vmem>>
    %dma_start3A_156 = tpu.memref_squeeze %dma_start3A_155 : memref<1x32xf32, #tpu.memory_space<vmem>> -> memref<32xf32, #tpu.memory_space<vmem>>
    %dma_start3A_157 = arith.constant 0 : i32
    %dma_start3A_158 = tpu.memref_slice %arg5[%dma_start3A_152, %dma_start3A_157] : memref<16x32xi32, #tpu.memory_space<vmem>> -> memref<1x32xi32, #tpu.memory_space<vmem>>
    %dma_start3A_159 = tpu.memref_squeeze %dma_start3A_158 : memref<1x32xi32, #tpu.memory_space<vmem>> -> memref<32xi32, #tpu.memory_space<vmem>>
    %dma_start3A_160 = arith.constant 0 : i32
    %dma_start3A_161 = tpu.memref_slice %arg2[%dma_start3A_160] : memref<1600000xf32, #tpu.memory_space<hbm>> -> memref<1600000xf32, #tpu.memory_space<hbm>>
    tpu.enqueue_indirect_dma source(%dma_start3A_161 : memref<1600000xf32, #tpu.memory_space<hbm>>) target(%dma_start3A_156 : memref<32xf32, #tpu.memory_space<vmem>>) offsets(%dma_start3A_159 : memref<32xi32, #tpu.memory_space<vmem>>) semaphore(%arg7 : memref<!tpu.dma_semaphore, #tpu.memory_space<semaphore_mem>>)
    %dma_wait3A = arith.constant 0 : i32
    %dma_wait3A_162 = arith.constant 0 : i32
    %dma_wait3A_163 = arith.constant 0 : i32
    %dma_wait3A_164 = tpu.memref_slice %arg6[%dma_wait3A_162, %dma_wait3A_163] : memref<16x32xf32, #tpu.memory_space<vmem>> -> memref<1x32xf32, #tpu.memory_space<vmem>>
    %dma_wait3A_165 = tpu.memref_squeeze %dma_wait3A_164 : memref<1x32xf32, #tpu.memory_space<vmem>> -> memref<32xf32, #tpu.memory_space<vmem>>
    %dma_wait3A_166 = arith.constant 0 : i32
    %dma_wait3A_167 = tpu.memref_slice %arg5[%dma_wait3A, %dma_wait3A_166] : memref<16x32xi32, #tpu.memory_space<vmem>> -> memref<1x32xi32, #tpu.memory_space<vmem>>
    %dma_wait3A_168 = tpu.memref_squeeze %dma_wait3A_167 : memref<1x32xi32, #tpu.memory_space<vmem>> -> memref<32xi32, #tpu.memory_space<vmem>>
    %dma_wait3A_169 = arith.constant 0 : i32
    %dma_wait3A_170 = tpu.memref_slice %arg2[%dma_wait3A_169] : memref<1600000xf32, #tpu.memory_space<hbm>> -> memref<1600000xf32, #tpu.memory_space<hbm>>
    tpu.wait_indirect_dma semaphore(%arg7 : memref<!tpu.dma_semaphore, #tpu.memory_space<semaphore_mem>>) src(%dma_wait3A_170 : memref<1600000xf32, #tpu.memory_space<hbm>>) dst(%dma_wait3A_165 : memref<32xf32, #tpu.memory_space<vmem>>)
    %dma_wait3A_171 = arith.constant 1 : i32
    %dma_wait3A_172 = arith.constant 1 : i32
    %dma_wait3A_173 = arith.constant 0 : i32
    %dma_wait3A_174 = tpu.memref_slice %arg6[%dma_wait3A_172, %dma_wait3A_173] : memref<16x32xf32, #tpu.memory_space<vmem>> -> memref<1x32xf32, #tpu.memory_space<vmem>>
    %dma_wait3A_175 = tpu.memref_squeeze %dma_wait3A_174 : memref<1x32xf32, #tpu.memory_space<vmem>> -> memref<32xf32, #tpu.memory_space<vmem>>
    %dma_wait3A_176 = arith.constant 0 : i32
    %dma_wait3A_177 = tpu.memref_slice %arg5[%dma_wait3A_171, %dma_wait3A_176] : memref<16x32xi32, #tpu.memory_space<vmem>> -> memref<1x32xi32, #tpu.memory_space<vmem>>
    %dma_wait3A_178 = tpu.memref_squeeze %dma_wait3A_177 : memref<1x32xi32, #tpu.memory_space<vmem>> -> memref<32xi32, #tpu.memory_space<vmem>>
    %dma_wait3A_179 = arith.constant 0 : i32
    %dma_wait3A_180 = tpu.memref_slice %arg2[%dma_wait3A_179] : memref<1600000xf32, #tpu.memory_space<hbm>> -> memref<1600000xf32, #tpu.memory_space<hbm>>
    tpu.wait_indirect_dma semaphore(%arg7 : memref<!tpu.dma_semaphore, #tpu.memory_space<semaphore_mem>>) src(%dma_wait3A_180 : memref<1600000xf32, #tpu.memory_space<hbm>>) dst(%dma_wait3A_175 : memref<32xf32, #tpu.memory_space<vmem>>)
    %dma_wait3A_181 = arith.constant 2 : i32
    %dma_wait3A_182 = arith.constant 2 : i32
    %dma_wait3A_183 = arith.constant 0 : i32
    %dma_wait3A_184 = tpu.memref_slice %arg6[%dma_wait3A_182, %dma_wait3A_183] : memref<16x32xf32, #tpu.memory_space<vmem>> -> memref<1x32xf32, #tpu.memory_space<vmem>>
    %dma_wait3A_185 = tpu.memref_squeeze %dma_wait3A_184 : memref<1x32xf32, #tpu.memory_space<vmem>> -> memref<32xf32, #tpu.memory_space<vmem>>
    %dma_wait3A_186 = arith.constant 0 : i32
    %dma_wait3A_187 = tpu.memref_slice %arg5[%dma_wait3A_181, %dma_wait3A_186] : memref<16x32xi32, #tpu.memory_space<vmem>> -> memref<1x32xi32, #tpu.memory_space<vmem>>
    %dma_wait3A_188 = tpu.memref_squeeze %dma_wait3A_187 : memref<1x32xi32, #tpu.memory_space<vmem>> -> memref<32xi32, #tpu.memory_space<vmem>>
    %dma_wait3A_189 = arith.constant 0 : i32
    %dma_wait3A_190 = tpu.memref_slice %arg2[%dma_wait3A_189] : memref<1600000xf32, #tpu.memory_space<hbm>> -> memref<1600000xf32, #tpu.memory_space<hbm>>
    tpu.wait_indirect_dma semaphore(%arg7 : memref<!tpu.dma_semaphore, #tpu.memory_space<semaphore_mem>>) src(%dma_wait3A_190 : memref<1600000xf32, #tpu.memory_space<hbm>>) dst(%dma_wait3A_185 : memref<32xf32, #tpu.memory_space<vmem>>)
    %dma_wait3A_191 = arith.constant 3 : i32
    %dma_wait3A_192 = arith.constant 3 : i32
    %dma_wait3A_193 = arith.constant 0 : i32
    %dma_wait3A_194 = tpu.memref_slice %arg6[%dma_wait3A_192, %dma_wait3A_193] : memref<16x32xf32, #tpu.memory_space<vmem>> -> memref<1x32xf32, #tpu.memory_space<vmem>>
    %dma_wait3A_195 = tpu.memref_squeeze %dma_wait3A_194 : memref<1x32xf32, #tpu.memory_space<vmem>> -> memref<32xf32, #tpu.memory_space<vmem>>
    %dma_wait3A_196 = arith.constant 0 : i32
    %dma_wait3A_197 = tpu.memref_slice %arg5[%dma_wait3A_191, %dma_wait3A_196] : memref<16x32xi32, #tpu.memory_space<vmem>> -> memref<1x32xi32, #tpu.memory_space<vmem>>
    %dma_wait3A_198 = tpu.memref_squeeze %dma_wait3A_197 : memref<1x32xi32, #tpu.memory_space<vmem>> -> memref<32xi32, #tpu.memory_space<vmem>>
    %dma_wait3A_199 = arith.constant 0 : i32
    %dma_wait3A_200 = tpu.memref_slice %arg2[%dma_wait3A_199] : memref<1600000xf32, #tpu.memory_space<hbm>> -> memref<1600000xf32, #tpu.memory_space<hbm>>
    tpu.wait_indirect_dma semaphore(%arg7 : memref<!tpu.dma_semaphore, #tpu.memory_space<semaphore_mem>>) src(%dma_wait3A_200 : memref<1600000xf32, #tpu.memory_space<hbm>>) dst(%dma_wait3A_195 : memref<32xf32, #tpu.memory_space<vmem>>)
    %dma_wait3A_201 = arith.constant 4 : i32
    %dma_wait3A_202 = arith.constant 4 : i32
    %dma_wait3A_203 = arith.constant 0 : i32
    %dma_wait3A_204 = tpu.memref_slice %arg6[%dma_wait3A_202, %dma_wait3A_203] : memref<16x32xf32, #tpu.memory_space<vmem>> -> memref<1x32xf32, #tpu.memory_space<vmem>>
    %dma_wait3A_205 = tpu.memref_squeeze %dma_wait3A_204 : memref<1x32xf32, #tpu.memory_space<vmem>> -> memref<32xf32, #tpu.memory_space<vmem>>
    %dma_wait3A_206 = arith.constant 0 : i32
    %dma_wait3A_207 = tpu.memref_slice %arg5[%dma_wait3A_201, %dma_wait3A_206] : memref<16x32xi32, #tpu.memory_space<vmem>> -> memref<1x32xi32, #tpu.memory_space<vmem>>
    %dma_wait3A_208 = tpu.memref_squeeze %dma_wait3A_207 : memref<1x32xi32, #tpu.memory_space<vmem>> -> memref<32xi32, #tpu.memory_space<vmem>>
    %dma_wait3A_209 = arith.constant 0 : i32
    %dma_wait3A_210 = tpu.memref_slice %arg2[%dma_wait3A_209] : memref<1600000xf32, #tpu.memory_space<hbm>> -> memref<1600000xf32, #tpu.memory_space<hbm>>
    tpu.wait_indirect_dma semaphore(%arg7 : memref<!tpu.dma_semaphore, #tpu.memory_space<semaphore_mem>>) src(%dma_wait3A_210 : memref<1600000xf32, #tpu.memory_space<hbm>>) dst(%dma_wait3A_205 : memref<32xf32, #tpu.memory_space<vmem>>)
    %dma_wait3A_211 = arith.constant 5 : i32
    %dma_wait3A_212 = arith.constant 5 : i32
    %dma_wait3A_213 = arith.constant 0 : i32
    %dma_wait3A_214 = tpu.memref_slice %arg6[%dma_wait3A_212, %dma_wait3A_213] : memref<16x32xf32, #tpu.memory_space<vmem>> -> memref<1x32xf32, #tpu.memory_space<vmem>>
    %dma_wait3A_215 = tpu.memref_squeeze %dma_wait3A_214 : memref<1x32xf32, #tpu.memory_space<vmem>> -> memref<32xf32, #tpu.memory_space<vmem>>
    %dma_wait3A_216 = arith.constant 0 : i32
    %dma_wait3A_217 = tpu.memref_slice %arg5[%dma_wait3A_211, %dma_wait3A_216] : memref<16x32xi32, #tpu.memory_space<vmem>> -> memref<1x32xi32, #tpu.memory_space<vmem>>
    %dma_wait3A_218 = tpu.memref_squeeze %dma_wait3A_217 : memref<1x32xi32, #tpu.memory_space<vmem>> -> memref<32xi32, #tpu.memory_space<vmem>>
    %dma_wait3A_219 = arith.constant 0 : i32
    %dma_wait3A_220 = tpu.memref_slice %arg2[%dma_wait3A_219] : memref<1600000xf32, #tpu.memory_space<hbm>> -> memref<1600000xf32, #tpu.memory_space<hbm>>
    tpu.wait_indirect_dma semaphore(%arg7 : memref<!tpu.dma_semaphore, #tpu.memory_space<semaphore_mem>>) src(%dma_wait3A_220 : memref<1600000xf32, #tpu.memory_space<hbm>>) dst(%dma_wait3A_215 : memref<32xf32, #tpu.memory_space<vmem>>)
    %dma_wait3A_221 = arith.constant 6 : i32
    %dma_wait3A_222 = arith.constant 6 : i32
    %dma_wait3A_223 = arith.constant 0 : i32
    %dma_wait3A_224 = tpu.memref_slice %arg6[%dma_wait3A_222, %dma_wait3A_223] : memref<16x32xf32, #tpu.memory_space<vmem>> -> memref<1x32xf32, #tpu.memory_space<vmem>>
    %dma_wait3A_225 = tpu.memref_squeeze %dma_wait3A_224 : memref<1x32xf32, #tpu.memory_space<vmem>> -> memref<32xf32, #tpu.memory_space<vmem>>
    %dma_wait3A_226 = arith.constant 0 : i32
    %dma_wait3A_227 = tpu.memref_slice %arg5[%dma_wait3A_221, %dma_wait3A_226] : memref<16x32xi32, #tpu.memory_space<vmem>> -> memref<1x32xi32, #tpu.memory_space<vmem>>
    %dma_wait3A_228 = tpu.memref_squeeze %dma_wait3A_227 : memref<1x32xi32, #tpu.memory_space<vmem>> -> memref<32xi32, #tpu.memory_space<vmem>>
    %dma_wait3A_229 = arith.constant 0 : i32
    %dma_wait3A_230 = tpu.memref_slice %arg2[%dma_wait3A_229] : memref<1600000xf32, #tpu.memory_space<hbm>> -> memref<1600000xf32, #tpu.memory_space<hbm>>
    tpu.wait_indirect_dma semaphore(%arg7 : memref<!tpu.dma_semaphore, #tpu.memory_space<semaphore_mem>>) src(%dma_wait3A_230 : memref<1600000xf32, #tpu.memory_space<hbm>>) dst(%dma_wait3A_225 : memref<32xf32, #tpu.memory_space<vmem>>)
    %dma_wait3A_231 = arith.constant 7 : i32
    %dma_wait3A_232 = arith.constant 7 : i32
    %dma_wait3A_233 = arith.constant 0 : i32
    %dma_wait3A_234 = tpu.memref_slice %arg6[%dma_wait3A_232, %dma_wait3A_233] : memref<16x32xf32, #tpu.memory_space<vmem>> -> memref<1x32xf32, #tpu.memory_space<vmem>>
    %dma_wait3A_235 = tpu.memref_squeeze %dma_wait3A_234 : memref<1x32xf32, #tpu.memory_space<vmem>> -> memref<32xf32, #tpu.memory_space<vmem>>
    %dma_wait3A_236 = arith.constant 0 : i32
    %dma_wait3A_237 = tpu.memref_slice %arg5[%dma_wait3A_231, %dma_wait3A_236] : memref<16x32xi32, #tpu.memory_space<vmem>> -> memref<1x32xi32, #tpu.memory_space<vmem>>
    %dma_wait3A_238 = tpu.memref_squeeze %dma_wait3A_237 : memref<1x32xi32, #tpu.memory_space<vmem>> -> memref<32xi32, #tpu.memory_space<vmem>>
    %dma_wait3A_239 = arith.constant 0 : i32
    %dma_wait3A_240 = tpu.memref_slice %arg2[%dma_wait3A_239] : memref<1600000xf32, #tpu.memory_space<hbm>> -> memref<1600000xf32, #tpu.memory_space<hbm>>
    tpu.wait_indirect_dma semaphore(%arg7 : memref<!tpu.dma_semaphore, #tpu.memory_space<semaphore_mem>>) src(%dma_wait3A_240 : memref<1600000xf32, #tpu.memory_space<hbm>>) dst(%dma_wait3A_235 : memref<32xf32, #tpu.memory_space<vmem>>)
    %dma_wait3A_241 = arith.constant 8 : i32
    %dma_wait3A_242 = arith.constant 8 : i32
    %dma_wait3A_243 = arith.constant 0 : i32
    %dma_wait3A_244 = tpu.memref_slice %arg6[%dma_wait3A_242, %dma_wait3A_243] : memref<16x32xf32, #tpu.memory_space<vmem>> -> memref<1x32xf32, #tpu.memory_space<vmem>>
    %dma_wait3A_245 = tpu.memref_squeeze %dma_wait3A_244 : memref<1x32xf32, #tpu.memory_space<vmem>> -> memref<32xf32, #tpu.memory_space<vmem>>
    %dma_wait3A_246 = arith.constant 0 : i32
    %dma_wait3A_247 = tpu.memref_slice %arg5[%dma_wait3A_241, %dma_wait3A_246] : memref<16x32xi32, #tpu.memory_space<vmem>> -> memref<1x32xi32, #tpu.memory_space<vmem>>
    %dma_wait3A_248 = tpu.memref_squeeze %dma_wait3A_247 : memref<1x32xi32, #tpu.memory_space<vmem>> -> memref<32xi32, #tpu.memory_space<vmem>>
    %dma_wait3A_249 = arith.constant 0 : i32
    %dma_wait3A_250 = tpu.memref_slice %arg2[%dma_wait3A_249] : memref<1600000xf32, #tpu.memory_space<hbm>> -> memref<1600000xf32, #tpu.memory_space<hbm>>
    tpu.wait_indirect_dma semaphore(%arg7 : memref<!tpu.dma_semaphore, #tpu.memory_space<semaphore_mem>>) src(%dma_wait3A_250 : memref<1600000xf32, #tpu.memory_space<hbm>>) dst(%dma_wait3A_245 : memref<32xf32, #tpu.memory_space<vmem>>)
    %dma_wait3A_251 = arith.constant 9 : i32
    %dma_wait3A_252 = arith.constant 9 : i32
    %dma_wait3A_253 = arith.constant 0 : i32
    %dma_wait3A_254 = tpu.memref_slice %arg6[%dma_wait3A_252, %dma_wait3A_253] : memref<16x32xf32, #tpu.memory_space<vmem>> -> memref<1x32xf32, #tpu.memory_space<vmem>>
    %dma_wait3A_255 = tpu.memref_squeeze %dma_wait3A_254 : memref<1x32xf32, #tpu.memory_space<vmem>> -> memref<32xf32, #tpu.memory_space<vmem>>
    %dma_wait3A_256 = arith.constant 0 : i32
    %dma_wait3A_257 = tpu.memref_slice %arg5[%dma_wait3A_251, %dma_wait3A_256] : memref<16x32xi32, #tpu.memory_space<vmem>> -> memref<1x32xi32, #tpu.memory_space<vmem>>
    %dma_wait3A_258 = tpu.memref_squeeze %dma_wait3A_257 : memref<1x32xi32, #tpu.memory_space<vmem>> -> memref<32xi32, #tpu.memory_space<vmem>>
    %dma_wait3A_259 = arith.constant 0 : i32
    %dma_wait3A_260 = tpu.memref_slice %arg2[%dma_wait3A_259] : memref<1600000xf32, #tpu.memory_space<hbm>> -> memref<1600000xf32, #tpu.memory_space<hbm>>
    tpu.wait_indirect_dma semaphore(%arg7 : memref<!tpu.dma_semaphore, #tpu.memory_space<semaphore_mem>>) src(%dma_wait3A_260 : memref<1600000xf32, #tpu.memory_space<hbm>>) dst(%dma_wait3A_255 : memref<32xf32, #tpu.memory_space<vmem>>)
    %dma_wait3A_261 = arith.constant 10 : i32
    %dma_wait3A_262 = arith.constant 10 : i32
    %dma_wait3A_263 = arith.constant 0 : i32
    %dma_wait3A_264 = tpu.memref_slice %arg6[%dma_wait3A_262, %dma_wait3A_263] : memref<16x32xf32, #tpu.memory_space<vmem>> -> memref<1x32xf32, #tpu.memory_space<vmem>>
    %dma_wait3A_265 = tpu.memref_squeeze %dma_wait3A_264 : memref<1x32xf32, #tpu.memory_space<vmem>> -> memref<32xf32, #tpu.memory_space<vmem>>
    %dma_wait3A_266 = arith.constant 0 : i32
    %dma_wait3A_267 = tpu.memref_slice %arg5[%dma_wait3A_261, %dma_wait3A_266] : memref<16x32xi32, #tpu.memory_space<vmem>> -> memref<1x32xi32, #tpu.memory_space<vmem>>
    %dma_wait3A_268 = tpu.memref_squeeze %dma_wait3A_267 : memref<1x32xi32, #tpu.memory_space<vmem>> -> memref<32xi32, #tpu.memory_space<vmem>>
    %dma_wait3A_269 = arith.constant 0 : i32
    %dma_wait3A_270 = tpu.memref_slice %arg2[%dma_wait3A_269] : memref<1600000xf32, #tpu.memory_space<hbm>> -> memref<1600000xf32, #tpu.memory_space<hbm>>
    tpu.wait_indirect_dma semaphore(%arg7 : memref<!tpu.dma_semaphore, #tpu.memory_space<semaphore_mem>>) src(%dma_wait3A_270 : memref<1600000xf32, #tpu.memory_space<hbm>>) dst(%dma_wait3A_265 : memref<32xf32, #tpu.memory_space<vmem>>)
    %dma_wait3A_271 = arith.constant 11 : i32
    %dma_wait3A_272 = arith.constant 11 : i32
    %dma_wait3A_273 = arith.constant 0 : i32
    %dma_wait3A_274 = tpu.memref_slice %arg6[%dma_wait3A_272, %dma_wait3A_273] : memref<16x32xf32, #tpu.memory_space<vmem>> -> memref<1x32xf32, #tpu.memory_space<vmem>>
    %dma_wait3A_275 = tpu.memref_squeeze %dma_wait3A_274 : memref<1x32xf32, #tpu.memory_space<vmem>> -> memref<32xf32, #tpu.memory_space<vmem>>
    %dma_wait3A_276 = arith.constant 0 : i32
    %dma_wait3A_277 = tpu.memref_slice %arg5[%dma_wait3A_271, %dma_wait3A_276] : memref<16x32xi32, #tpu.memory_space<vmem>> -> memref<1x32xi32, #tpu.memory_space<vmem>>
    %dma_wait3A_278 = tpu.memref_squeeze %dma_wait3A_277 : memref<1x32xi32, #tpu.memory_space<vmem>> -> memref<32xi32, #tpu.memory_space<vmem>>
    %dma_wait3A_279 = arith.constant 0 : i32
    %dma_wait3A_280 = tpu.memref_slice %arg2[%dma_wait3A_279] : memref<1600000xf32, #tpu.memory_space<hbm>> -> memref<1600000xf32, #tpu.memory_space<hbm>>
    tpu.wait_indirect_dma semaphore(%arg7 : memref<!tpu.dma_semaphore, #tpu.memory_space<semaphore_mem>>) src(%dma_wait3A_280 : memref<1600000xf32, #tpu.memory_space<hbm>>) dst(%dma_wait3A_275 : memref<32xf32, #tpu.memory_space<vmem>>)
    %dma_wait3A_281 = arith.constant 12 : i32
    %dma_wait3A_282 = arith.constant 12 : i32
    %dma_wait3A_283 = arith.constant 0 : i32
    %dma_wait3A_284 = tpu.memref_slice %arg6[%dma_wait3A_282, %dma_wait3A_283] : memref<16x32xf32, #tpu.memory_space<vmem>> -> memref<1x32xf32, #tpu.memory_space<vmem>>
    %dma_wait3A_285 = tpu.memref_squeeze %dma_wait3A_284 : memref<1x32xf32, #tpu.memory_space<vmem>> -> memref<32xf32, #tpu.memory_space<vmem>>
    %dma_wait3A_286 = arith.constant 0 : i32
    %dma_wait3A_287 = tpu.memref_slice %arg5[%dma_wait3A_281, %dma_wait3A_286] : memref<16x32xi32, #tpu.memory_space<vmem>> -> memref<1x32xi32, #tpu.memory_space<vmem>>
    %dma_wait3A_288 = tpu.memref_squeeze %dma_wait3A_287 : memref<1x32xi32, #tpu.memory_space<vmem>> -> memref<32xi32, #tpu.memory_space<vmem>>
    %dma_wait3A_289 = arith.constant 0 : i32
    %dma_wait3A_290 = tpu.memref_slice %arg2[%dma_wait3A_289] : memref<1600000xf32, #tpu.memory_space<hbm>> -> memref<1600000xf32, #tpu.memory_space<hbm>>
    tpu.wait_indirect_dma semaphore(%arg7 : memref<!tpu.dma_semaphore, #tpu.memory_space<semaphore_mem>>) src(%dma_wait3A_290 : memref<1600000xf32, #tpu.memory_space<hbm>>) dst(%dma_wait3A_285 : memref<32xf32, #tpu.memory_space<vmem>>)
    %dma_wait3A_291 = arith.constant 13 : i32
    %dma_wait3A_292 = arith.constant 13 : i32
    %dma_wait3A_293 = arith.constant 0 : i32
    %dma_wait3A_294 = tpu.memref_slice %arg6[%dma_wait3A_292, %dma_wait3A_293] : memref<16x32xf32, #tpu.memory_space<vmem>> -> memref<1x32xf32, #tpu.memory_space<vmem>>
    %dma_wait3A_295 = tpu.memref_squeeze %dma_wait3A_294 : memref<1x32xf32, #tpu.memory_space<vmem>> -> memref<32xf32, #tpu.memory_space<vmem>>
    %dma_wait3A_296 = arith.constant 0 : i32
    %dma_wait3A_297 = tpu.memref_slice %arg5[%dma_wait3A_291, %dma_wait3A_296] : memref<16x32xi32, #tpu.memory_space<vmem>> -> memref<1x32xi32, #tpu.memory_space<vmem>>
    %dma_wait3A_298 = tpu.memref_squeeze %dma_wait3A_297 : memref<1x32xi32, #tpu.memory_space<vmem>> -> memref<32xi32, #tpu.memory_space<vmem>>
    %dma_wait3A_299 = arith.constant 0 : i32
    %dma_wait3A_300 = tpu.memref_slice %arg2[%dma_wait3A_299] : memref<1600000xf32, #tpu.memory_space<hbm>> -> memref<1600000xf32, #tpu.memory_space<hbm>>
    tpu.wait_indirect_dma semaphore(%arg7 : memref<!tpu.dma_semaphore, #tpu.memory_space<semaphore_mem>>) src(%dma_wait3A_300 : memref<1600000xf32, #tpu.memory_space<hbm>>) dst(%dma_wait3A_295 : memref<32xf32, #tpu.memory_space<vmem>>)
    %dma_wait3A_301 = arith.constant 14 : i32
    %dma_wait3A_302 = arith.constant 14 : i32
    %dma_wait3A_303 = arith.constant 0 : i32
    %dma_wait3A_304 = tpu.memref_slice %arg6[%dma_wait3A_302, %dma_wait3A_303] : memref<16x32xf32, #tpu.memory_space<vmem>> -> memref<1x32xf32, #tpu.memory_space<vmem>>
    %dma_wait3A_305 = tpu.memref_squeeze %dma_wait3A_304 : memref<1x32xf32, #tpu.memory_space<vmem>> -> memref<32xf32, #tpu.memory_space<vmem>>
    %dma_wait3A_306 = arith.constant 0 : i32
    %dma_wait3A_307 = tpu.memref_slice %arg5[%dma_wait3A_301, %dma_wait3A_306] : memref<16x32xi32, #tpu.memory_space<vmem>> -> memref<1x32xi32, #tpu.memory_space<vmem>>
    %dma_wait3A_308 = tpu.memref_squeeze %dma_wait3A_307 : memref<1x32xi32, #tpu.memory_space<vmem>> -> memref<32xi32, #tpu.memory_space<vmem>>
    %dma_wait3A_309 = arith.constant 0 : i32
    %dma_wait3A_310 = tpu.memref_slice %arg2[%dma_wait3A_309] : memref<1600000xf32, #tpu.memory_space<hbm>> -> memref<1600000xf32, #tpu.memory_space<hbm>>
    tpu.wait_indirect_dma semaphore(%arg7 : memref<!tpu.dma_semaphore, #tpu.memory_space<semaphore_mem>>) src(%dma_wait3A_310 : memref<1600000xf32, #tpu.memory_space<hbm>>) dst(%dma_wait3A_305 : memref<32xf32, #tpu.memory_space<vmem>>)
    %dma_wait3A_311 = arith.constant 15 : i32
    %dma_wait3A_312 = arith.constant 15 : i32
    %dma_wait3A_313 = arith.constant 0 : i32
    %dma_wait3A_314 = tpu.memref_slice %arg6[%dma_wait3A_312, %dma_wait3A_313] : memref<16x32xf32, #tpu.memory_space<vmem>> -> memref<1x32xf32, #tpu.memory_space<vmem>>
    %dma_wait3A_315 = tpu.memref_squeeze %dma_wait3A_314 : memref<1x32xf32, #tpu.memory_space<vmem>> -> memref<32xf32, #tpu.memory_space<vmem>>
    %dma_wait3A_316 = arith.constant 0 : i32
    %dma_wait3A_317 = tpu.memref_slice %arg5[%dma_wait3A_311, %dma_wait3A_316] : memref<16x32xi32, #tpu.memory_space<vmem>> -> memref<1x32xi32, #tpu.memory_space<vmem>>
    %dma_wait3A_318 = tpu.memref_squeeze %dma_wait3A_317 : memref<1x32xi32, #tpu.memory_space<vmem>> -> memref<32xi32, #tpu.memory_space<vmem>>
    %dma_wait3A_319 = arith.constant 0 : i32
    %dma_wait3A_320 = tpu.memref_slice %arg2[%dma_wait3A_319] : memref<1600000xf32, #tpu.memory_space<hbm>> -> memref<1600000xf32, #tpu.memory_space<hbm>>
    tpu.wait_indirect_dma semaphore(%arg7 : memref<!tpu.dma_semaphore, #tpu.memory_space<semaphore_mem>>) src(%dma_wait3A_320 : memref<1600000xf32, #tpu.memory_space<hbm>>) dst(%dma_wait3A_315 : memref<32xf32, #tpu.memory_space<vmem>>)
    "tpu.region"() ({
      %run_scoped3A = tpu.sem_alloc : memref<!tpu.dma_semaphore, #tpu.memory_space<semaphore_mem>>
      %dma_start3A_321 = arith.constant 0 : i32
      %dma_start3A_322 = tpu.memref_slice %arg4[%dma_start3A_321, %mul3A_2] : memref<16x1024xf32, #tpu.memory_space<hbm>> -> memref<16x32xf32, #tpu.memory_space<hbm>>
      %dma_start3A_323 = arith.constant 0 : i32
      %dma_start3A_324 = tpu.memref_slice %arg4[%dma_start3A_323, %mul3A_2] : memref<16x1024xf32, #tpu.memory_space<hbm>> -> memref<16x32xf32, #tpu.memory_space<hbm>>
      tpu.enqueue_dma source(%arg6 : memref<16x32xf32, #tpu.memory_space<vmem>>) target(%dma_start3A_324 : memref<16x32xf32, #tpu.memory_space<hbm>>) target_semaphore(%run_scoped3A : memref<!tpu.dma_semaphore, #tpu.memory_space<semaphore_mem>>)
      %dma_wait3A_325 = arith.constant 0 : i32
      %dma_wait3A_326 = tpu.memref_slice %arg4[%dma_wait3A_325, %mul3A_2] : memref<16x1024xf32, #tpu.memory_space<hbm>> -> memref<16x32xf32, #tpu.memory_space<hbm>>
      %dma_wait3A_327 = arith.constant 0 : i32
      %dma_wait3A_328 = tpu.memref_slice %arg4[%dma_wait3A_327, %mul3A_2] : memref<16x1024xf32, #tpu.memory_space<hbm>> -> memref<16x32xf32, #tpu.memory_space<hbm>>
      tpu.wait_dma2 semaphore(%run_scoped3A : memref<!tpu.dma_semaphore, #tpu.memory_space<semaphore_mem>>) src(%arg6 : memref<16x32xf32, #tpu.memory_space<vmem>>) dst(%dma_wait3A_328 : memref<16x32xf32, #tpu.memory_space<hbm>>)
      tpu.yield
    }) : () -> ()
    return
  }
}

module attributes {stable_mosaic.version = 14 : i64} {
  func.func @_proj_body(%arg0: i32, %arg1: memref<17x2048xbf16, #tpu.memory_space<vmem>>, %arg2: memref<16x1024xf32, #tpu.memory_space<vmem>>, %arg3: memref<2048x1024xf32, #tpu.memory_space<vmem>>) attributes {dimension_semantics = [#tpu.dimension_semantics<arbitrary>], iteration_bounds = array<i64: 49>, scalar_prefetch = 0 : i64, scratch_operands = 0 : i64, tpu.core_type = #tpu.core_type<tc>, window_params = [{transform_indices = @transform_0, window_bounds = array<i64: 17, 2048>}, {pipeline_mode = #tpu.pipeline_mode<synchronous>, transform_indices = @transform_1, window_bounds = array<i64: 16, 1024>}, {transform_indices = @transform_2, window_bounds = array<i64: 2048, 1024>}]} {
    %get3A = arith.constant 0 : index
    %get3A_0 = arith.constant 0 : index
    %get3A_1 = vector.load %arg2[%get3A, %get3A_0] : memref<16x1024xf32, #tpu.memory_space<vmem>>, vector<16x1024xf32>
    %convert_element_type3A = arith.truncf %get3A_1 : vector<16x1024xf32> to vector<16x1024xbf16>
    %broadcast_in_dim3A = arith.constant 1.000000e+00 : bf16
    %broadcast_in_dim3A_2 = vector.broadcast %broadcast_in_dim3A : bf16 to vector<1x1024xbf16>
    %concatenate3A = tpu.concatenate %convert_element_type3A, %broadcast_in_dim3A_2 in 0 : vector<16x1024xbf16>, vector<1x1024xbf16> -> vector<17x1024xbf16>
    %get3A_3 = arith.constant 0 : index
    %get3A_4 = arith.constant 0 : index
    %get3A_5 = vector.load %arg1[%get3A_3, %get3A_4] : memref<17x2048xbf16, #tpu.memory_space<vmem>>, vector<17x2048xbf16>
    %dot_general3A = arith.constant dense<0.000000e+00> : vector<2048x1024xf32>
    %dot_general3A_6 = tpu.matmul %get3A_5, %concatenate3A, %dot_general3A {dimension_numbers = #tpu.dot_dimension_numbers<[0], [0], [1], [1], [0, 1, 1, 1], [], []>, transpose_lhs_hint = false} : vector<17x2048xbf16>, vector<17x1024xbf16>, vector<2048x1024xf32> -> vector<2048x1024xf32>
    %swap3A = arith.constant 0 : index
    %swap3A_7 = arith.constant 0 : index
    %swap3A_8 = vector.load %arg3[%swap3A, %swap3A_7] : memref<2048x1024xf32, #tpu.memory_space<vmem>>, vector<2048x1024xf32>
    tpu.vector_store %arg3[%swap3A, %swap3A_7], %dot_general3A_6 {strides = array<i32>} : memref<2048x1024xf32, #tpu.memory_space<vmem>>, vector<2048x1024xf32>,
    return
  }
  func.func @transform_0(%arg0: i32) -> (i32, i32) {
    %c0_i32 = arith.constant 0 : i32
    %c0_i32_0 = arith.constant 0 : i32
    return %c0_i32, %arg0 : i32, i32
  }
  func.func @transform_1(%arg0: i32) -> (i32, i32) {
    %c0_i32 = arith.constant 0 : i32
    %c0_i32_0 = arith.constant 0 : i32
    %c0_i32_1 = arith.constant 0 : i32
    return %c0_i32, %c0_i32_0 : i32, i32
  }
  func.func @transform_2(%arg0: i32) -> (i32, i32) {
    %c0_i32 = arith.constant 0 : i32
    %c0_i32_0 = arith.constant 0 : i32
    return %arg0, %c0_i32 : i32, i32
  }
}

</mosaic_0001>

<sc_bundles>
// kernel: kernel.4.cloned.1.call-start
scs
__scs_entry_jumppad:
0x0: {  	(pc) =	sbr.rel $0x88, $3  }
0x1: {  	(tag) =	ssettag $0x0;
	lr =	simm.s32 $0x1  }
0x2: {  	[smem:$0x3F9D] =	sst lr;
	_ =	strace $0xD0000000  }
0x3: {  	_ = 	snop  }
0x4: {  	_ = 	snop  }
0x5: {  	_ = 	snop  }
0x6: {  	_ = 	snop  }
0x7: {  	_ = 	snop  }
__scs_overlays_trampoline_lowered:
0x8: {  	[smem:$0x3FAC] =	sst s0  }
0x9: {  	[smem:$0x3FAD] =	sst s1  }
0xa: {  	[smem:$0x3FAE] =	sst s2  }
0xb: {  	[smem:$0x3FAF] =	sst s3  }
0xc: {  	[smem:$0x3FB0] =	sst s4  }
0xd: {  	[smem:$0x3FB1] =	sst s5  }
0xe: {  	[smem:$0x3FB2] =	sst s6  }
0xf: {  	[smem:$0x3FB3] =	sst s7  }
0x10: {  	[smem:$0x3FB4] =	sst s8  }
0x11: {  	[smem:$0x3FB5] =	sst s9;
	s0 =	simm.s32 @!p0 $0x0  }
0x12: {  	s1 =	sld [smem:$0x3F9B];
	s0 =	simm.s32 @p0 $0x1  }
0x13: {  	[smem:$0x3FB6] =	sst s0;
	s0 =	simm.s32 @!p1 $0x0  }
0x14: {  	s2 =	sld [smem:$0x3F9A];
	s0 =	simm.s32 @p1 $0x1  }
0x15: {  	[smem:$0x3FB7] =	sst s0;
	s0 =	simm.s32 @!p2 $0x0  }
0x16: {  	s3 =	sld [smem:$0x3FDB];
	s0 =	simm.s32 @p2 $0x1  }
0x17: {  	s4 =	simm.s32 $0x1BF5;
	[smem:$0x3FB9] =	sst s0  }
0x18: {  	s0 =	sld [smem:$0x3F9C];
	_ =	swait.ge [sflag:s4], $0x0  }
0x19: {  	s7 =	sld [smem:$0x3F9D]  }
0x1a: {  	s8 =	sadd.s32 $0xFFFFE003, lr  }
0x1b: {  	s9 =	sadd.s32 $0xFFFFFEF7, lr;
	s5 =	simm.s32 $0xFFFFFFFF;
	p2 =	slt.u32 s8, $0xFFFFF086  }
0x1c: {  	p1 =	slt.u32 s9, $0xF7A;
	s5 =	simm.s32 @!p2 $0x0  }
0x1d: {  	s5 =	simm.s32 @p1 $0x1;
	p0 =	seq.s32 s7, s2  }
0x1e: {  	s7 =	smul.u32 @!p0 $0xF7A, s2;
	p2 =	seq.s32 @!p0 s5, $0x0  }
0x1f: {  	s9 =	smul.u32 $0xF7A, s1;
	s8 =	simm.s32 @!p0 $0x1BF5;
	p2 =	por !p2, p0  }
0x20: {  	[sflag:s8] =	ssyncset.s32 @!p0 $0xFFFFF086;
	s6 =	sadd.s32 @!p0 s3, s7;
	s7 =	simm.s32 @!p0 $0x108  }
0x21: {  	s3 =	sadd.s32 s3, s9;
	s6 =	sadd.s32 @!p0 $0x88, s6;
	s7 =	simm.s32 @p2 $0x1082  }
0x22: {  	[simem:s7], [sflag:s8] =	dma.local @!p0 [hbm:s6], $0xF7A  }
0x23: {  	s9 =	sor.u32 $0xD0000000, s2;
	s6 =	simm.s32 $0x108;
	_ =	swait.ge @!p0 [sflag:s8], $0x0  }
0x24: {  	s3 =	sadd.s32 $0x88, s3;
	s6 =	simm.s32 @!p1 $0x1082;
	[sflag:s4] =	ssyncset.s32 $0xFFFFF086  }
0x25: {  	[simem:s6], [sflag:s4] =	dma.local [hbm:s3], $0xF7A  }
0x26: {  	[smem:$0x3F9D] =	sst s1;
	(tag) =	ssettag s2;
	_ =	strace s9  }
0x27: {  	s1 =	sld [smem:$0x3FAD]  }
0x28: {  	s2 =	sld [smem:$0x3FAE]  }
0x29: {  	s4 =	sld [smem:$0x3FB0]  }
0x2a: {  	p0 =	seq.s32 s5, $0x0;
	s5 =	sld [smem:$0x3FB1]  }
0x2b: {  	s6 =	sld [smem:$0x3FB2]  }
0x2c: {  	s7 =	sld [smem:$0x3FB3]  }
0x2d: {  	s3 =	simm.s32 $0x108;
	s8 =	sld [smem:$0x3FB4]  }
0x2e: {  	s3 =	simm.s32 @!p0 $0x1082;
	s9 =	sld [smem:$0x3FB5]  }
0x2f: {  	lr =	sadd.s32 s0, s3;
	s0 =	sld [smem:$0x3FAC]  }
0x30: {  	s3 =	sld [smem:$0x3FAF]  }
0x31: {  	[smem:$0x3FB8] =	sst s10  }
0x32: {  	s10 =	sld [smem:$0x3FB6];
	_ =	sdelay $0x3  }
0x33: {  	p0 =	seq.s32 s10, $0x1;
	s10 =	sld [smem:$0x3FB8];
	_ =	sdelay $0x3  }
0x34: {  	[smem:$0x3FB8] =	sst s10  }
0x35: {  	s10 =	sld [smem:$0x3FB7];
	_ =	sdelay $0x3  }
0x36: {  	p1 =	seq.s32 s10, $0x1;
	s10 =	sld [smem:$0x3FB8];
	_ =	sdelay $0x3  }
0x37: {  	[smem:$0x3FB8] =	sst s10  }
0x38: {  	s10 =	sld [smem:$0x3FB9]  }
0x39: {  	_ = 	snop;
	(pc) =	sbr.ind lr, $3  }
0x3a: {  	_ = 	snop  }
0x3b: {  	_ = 	snop  }
0x3c: {  	p2 =	seq.s32 s10, $0x1;
	s10 =	sld [smem:$0x3FB8]  }
0x3d: {  	_ =	shalt  }
0x3e: {  	_ =	shalt  }
0x3f: {  	_ =	shalt  }
0x40: {  	_ =	shalt  }
0x41: {  	_ =	shalt  }
0x42: {  	_ =	shalt  }
0x43: {  	_ =	shalt  }
0x44: {  	_ =	shalt  }
0x45: {  	_ =	shalt  }
0x46: {  	_ =	shalt  }
0x47: {  	_ =	shalt  }
0x48: {  	_ =	shalt  }
0x49: {  	_ =	shalt  }
0x4a: {  	_ =	shalt  }
0x4b: {  	_ =	shalt  }
0x4c: {  	_ =	shalt  }
0x4d: {  	_ =	shalt  }
0x4e: {  	_ =	shalt  }
0x4f: {  	_ =	shalt  }
0x50: {  	_ =	shalt  }
0x51: {  	_ =	shalt  }
0x52: {  	_ =	shalt  }
0x53: {  	_ =	shalt  }
0x54: {  	_ =	shalt  }
0x55: {  	_ =	shalt  }
0x56: {  	_ =	shalt  }
0x57: {  	_ =	shalt  }
0x58: {  	_ =	shalt  }
0x59: {  	_ =	shalt  }
0x5a: {  	_ =	shalt  }
0x5b: {  	_ =	shalt  }
0x5c: {  	_ =	shalt  }
0x5d: {  	_ =	shalt  }
0x5e: {  	_ =	shalt  }
0x5f: {  	_ =	shalt  }
0x60: {  	_ =	shalt  }
0x61: {  	_ =	shalt  }
0x62: {  	_ =	shalt  }
0x63: {  	_ =	shalt  }
0x64: {  	_ =	shalt  }
0x65: {  	_ =	shalt  }
0x66: {  	_ =	shalt  }
0x67: {  	_ =	shalt  }
0x68: {  	_ =	shalt  }
0x69: {  	_ =	shalt  }
0x6a: {  	_ =	shalt  }
0x6b: {  	_ =	shalt  }
0x6c: {  	_ =	shalt  }
0x6d: {  	_ =	shalt  }
0x6e: {  	_ =	shalt  }
0x6f: {  	_ =	shalt  }
0x70: {  	_ =	shalt  }
0x71: {  	_ =	shalt  }
0x72: {  	_ =	shalt  }
0x73: {  	_ =	shalt  }
0x74: {  	_ =	shalt  }
0x75: {  	_ =	shalt  }
0x76: {  	_ =	shalt  }
0x77: {  	_ =	shalt  }
0x78: {  	_ =	shalt  }
0x79: {  	_ =	shalt  }
0x7a: {  	_ =	shalt  }
0x7b: {  	_ =	shalt  }
0x7c: {  	_ =	shalt  }
0x7d: {  	_ =	shalt  }
0x7e: {  	_ =	shalt  }
0x7f: {  	_ =	shalt  }
0x80: {  	_ =	shalt  }
0x81: {  	_ =	shalt  }
0x82: {  	_ =	shalt  }
0x83: {  	_ =	shalt  }
0x84: {  	_ =	shalt  }
0x85: {  	_ =	shalt  }
0x86: {  	_ =	shalt  }
0x87: {  	_ =	shalt  }
.Lfunc_end0:
.L_simem_size_0:
called_computation_lowered:
.L_overlay_start_0:
0x88: {  	s2 =	sld [smem:$0x3FD9]  }
0x89: {  	s3 =	sld [smem:$0x3FFE];
	_ =	sdelay $0x1  }
0x8a: {  	s1 =	srdreg.scid  }
0x8b: {  	s0 =	sand.u32 $0x1, s1  }
0x8c: {  	s17 =	sshll.u32 s0, $0xA;
	s2 =	sadd.s32 s3, s2  }
0x8d: {  	s2 =	sadd.s32 s2, s17  }
0x8e: {  	[smem:$0x3FC4] =	sst s2  }
0x8f: {  	_ = 	snop  }
0x90: {  	s2 =	sld [smem:$0x3FD0];
	(tm) =	ssettm $0x1  }
0x91: {  	s18 =	sld [smem:$0x3FFB];
	_ =	sdelay $0x3  }
0x92: {  	_ =	strace s18  }
0x93: {  	s3 =	sld [smem:$0x3FFC];
	_ =	sdelay $0x3  }
0x94: {  	_ =	strace s3  }
0x95: {  	s3 =	sld [smem:$0x3FFD];
	_ =	sdelay $0x3  }
0x96: {  	_ =	strace s3  }
0x97: {  	_ =	strace $0x8FFFFFFF  }
0x98: {  	s19 =	sld [smem:$0x3FDB];
	_ =	sdelay $0x1  }
0x99: {  	s4 =	simm.s32 $_scs_section_size  }
0x9a: {  	s5 =	simm.s32 $_size__tile_overlayer_lowered;
	s6 =	simm.s32 $_tile_overlayer_lowered  }
0x9b: {  	s22 =	simm.s32 $0x1BFF;
	s21 =	sshll.u32 s6, $0x1;
	s3 =	sadd.s32 s4, s19  }
0x9c: {  	s7 =	simm.s32 $0x0;
	s20 =	sshll.u32 s5, $0x1;
	s5 =	sadd.s32 s21, s3  }
0x9d: {  	[timem:s7], [sflag:s22] =	dma.local [hbm:s5], s20  }
0x9e: {  	_ =	swait.ge [sflag:s22], s20  }
0x9f: {  	s4 =	ssub.s32 $0x0, s20;
	[sflag:s22] =	ssyncset.done $0x0  }
0xa0: {  	[sflag:s22] =	ssyncadd.s32 s4;
	_ =	sdelay $0x1  }
0xa1: {  	s23 =	simm.s32 $0x1B8B  }
0xa2: {  	_ =	swait.ge [sflag:s23], $0x1  }
0xa3: {  	[sflag:s23] =	ssyncset.done $0x0  }
0xa4: {  	s25 =	simm.s32 $0x1B8E;
	s24 =	sld [smem:$0x3FFE];
	[sflag:s23] =	ssyncadd.s32 $0xFFFFFFFF  }
0xa5: {  	s26 =	simm.s32 $execute0_lowered;
	[smem:$0x3FD2] =	sst s25  }
0xa6: {  	s5 =	sshll.u32 s26, $0x1;
	_ =	strace $0x80000046;
	[dreg:$0x1] =	wrdreg $0xFFFFFFFF  }
0xa7: {  	s28 =	simm.s32 $_size_execute0_lowered;
	s3 =	sadd.s32 s3, s5;
	[dreg:$0x0] =	wrdreg $0x0  }
0xa8: {  	s5 =	sshll.u32 s28, $0x1;
	[dreg:$0x2] =	wrdreg s3  }
0xa9: {  	[dreg:$0x3] =	wrdreg s5  }
0xaa: {  	[dreg:$0x4] =	wrdreg $0xC0  }
0xab: {  	_ =	task [dreg:s7], $0x5FFFF  }
0xac: {  	[dreg:$0x1] =	wrdreg $0xFFFFFFFF  }
0xad: {  	[dreg:$0x0] =	wrdreg $0x60  }
0xae: {  	[dreg:$0x2] =	wrdreg s2  }
0xaf: {  	[dreg:$0x3] =	wrdreg s24  }
0xb0: {  	[dreg:$0x4] =	wrdreg $0x9  }
0xb1: {  	_ =	task.clear_ibuf [dreg:s7], $0x5FFFF;
	_ =	strace $0x90000046  }
0xb2: {  	s29 =	simm.s32 $0x9;
	_ =	strace $0x80000048  }
0xb3: {  	_ =	swait.ge [sflag:s29], $0x1  }
0xb4: {  	[sflag:s29] =	ssyncadd.s32 $0xFFFFFFFF  }
0xb5: {  	_ =	strace $0x90000048  }
0xb6: {  	_ =	sfence  }
0xb7: {  	s30 =	sld [smem:$0x0];
	_ =	sdelay $0x2  }
0xb8: {  	s31 =	sshll.u32 s1, $0xD;
	s1 =	sshrl.u32 s1, $0x2  }
0xb9: {  	s3 =	sand.u32 $0x4000, s31;
	s1 =	sadd.s32 s1, s30  }
0xba: {  	s0 =	sor.u32 s3, s0;
	s1 =	sshll.u32 s1, $0x11  }
0xbb: {  	s0 =	sor.u32 s1, s0  }
0xbc: {  	s0 =	sadd.s32 $0x8F2B, s0  }
0xbd: {  	[sflag:s0] =	ssyncadd.remote.s32 $0x1  }
0xbe: {  	_ =	sfence.sel $0xFFFF  }
0xbf: {  	[dreg:$0x0] =	wrdreg $0xFFFFFFFF;
	(pc) =	sbr.abs _section_cstart, $3  }
0xc0: {  	[dreg:$0x1] =	wrdreg $0xFFFFFFFF  }
0xc1: {  	_ =	task.clear_ibuf [dreg:s7], $0x2FFFF;
	_ =	strace $0x9FFFFFFF  }
0xc2: {  	(tm) =	ssettm $0x7FFFFFFF  }
0xc3: {  	_ =	shalt  }
tec
execute0_lowered:
.L_overlay_start_1:
0x0: {  	(tag) =	ssettag $0x1  }
0x1: {  	s2 =	rddreg [dreg:$0x0]  }
0x2: {  	s1 =	srdreg.scid;
	s4 =	rddreg [dreg:$0x1];
	s3 =	simm.s32 $0x0  }
0x3: {  	s0 =	stileid.u32;
	s16 =	simm.s32 $0x220;
	[smem:$0x7FF] =	sst s3  }
0x4: {  	s17 =	simm.s32 $0x40;
	_ =	strace $0x80000047;
	[dreg:$0x5] =	wrdreg s16  }
0x5: {  	s18 =	simm.s32 $0x240;
	s19 =	simm.s32 $0x60;
	[dreg:$0x6] =	wrdreg s17  }
0x6: {  	s20 =	simm.s32 $0x260;
	s1 =	sand.u32 $0x1, s1;
	[dreg:$0x7] =	wrdreg s18  }
0x7: {  	s5 =	sshll.u32 s0, $0x3;
	s6 =	sshll.u32 s1, $0x2;
	[dreg:$0x8] =	wrdreg s19  }
0x8: {  	s21 =	simm.s32 $0x80;
	[dreg:$0x9] =	wrdreg s20;
	s5 =	sor.u32 s6, s5  }
0x9: {  	s8 =	simm.s32 $0x280;
	[dreg:$0xa] =	wrdreg s21;
	s4 =	sadd.s32 s5, s4  }
0xa: {  	[dreg:$0xb] =	wrdreg s8;
	s5 =	sadd.s32 $0xE00, s4  }
0xb: {  	s4 =	sadd.s32 $0x1600, s4;
	[dreg:$0x3] =	wrdreg s5  }
0xc: {  	s6 =	simm.s32 $0x400;
	[dreg:$0x4] =	wrdreg s4  }
0xd: {  	s4 =	simm.s32 $0x20;
	s5 =	simm.s32 $0x2;
	s7 =	rddreg [dreg:$0x3]  }
0xe: {  	[tilespmem:s3], [sflag:$0x2] =	stream.strided.gather [hbm4b:s7+s4], $0x200, s6, s4, $0x38;
	[tilespmem:$0x400] =	vst v63  }
0xf: {  	_ =	swait.ge [sflag:s5], $0x200  }
0x10: {  	s22 =	rddreg [dreg:$0xb]  }
0x11: {  	s9 =	rddreg [dreg:$0x6];
	[sflag:s5] =	ssyncset.done $0x0  }
0x12: {  	s7 =	simm.s32 $0x200;
	s10 =	rddreg [dreg:$0x5];
	[sflag:s5] =	ssyncadd.s32 $0xFFFFFE00  }
0x13: {  	[tilespmem:s7], [sflag:$0x1] =	stream.indirect.gather [hbm4b:s2+s4], $0x1, s3, s4, $0xb8;
	[tilespmem:$0x400] =	vst v63  }
0x14: {  	s11 =	rddreg [dreg:$0x7]  }
0x15: {  	[tilespmem:s10], [sflag:$0x1] =	stream.indirect.gather [hbm4b:s2+s4], $0x1, s4, s4, $0xb8;
	[tilespmem:$0x400] =	vst v63  }
0x16: {  	s12 =	rddreg [dreg:$0x9]  }
0x17: {  	[tilespmem:s11], [sflag:$0x1] =	stream.indirect.gather [hbm4b:s2+s4], $0x1, s9, s4, $0xb8;
	[tilespmem:$0x400] =	vst v63  }
0x18: {  	s23 =	rddreg [dreg:$0x8]  }
0x19: {  	[tilespmem:s12], [sflag:$0x1] =	stream.indirect.gather [hbm4b:s2+s4], $0x1, s23, s4, $0xb8;
	[tilespmem:$0x400] =	vst v63  }
0x1a: {  	s24 =	rddreg [dreg:$0xa]  }
0x1b: {  	[tilespmem:s22], [sflag:$0x1] =	stream.indirect.gather [hbm4b:s2+s4], $0x1, s24, s4, $0xb8;
	[tilespmem:$0x400] =	vst v63  }
0x1c: {  	s25 =	simm.s32 $0xA0;
	s26 =	simm.s32 $0x2A0  }
0x1d: {  	[tilespmem:s26], [sflag:$0x1] =	stream.indirect.gather [hbm4b:s2+s4], $0x1, s25, s4, $0xb8;
	[tilespmem:$0x400] =	vst v63  }
0x1e: {  	s8 =	simm.s32 $0xC0;
	s9 =	simm.s32 $0x2C0  }
0x1f: {  	[tilespmem:s9], [sflag:$0x1] =	stream.indirect.gather [hbm4b:s2+s4], $0x1, s8, s4, $0xb8;
	[tilespmem:$0x400] =	vst v63  }
0x20: {  	s13 =	simm.s32 $0x2E0;
	s12 =	simm.s32 $0xE0  }
0x21: {  	[tilespmem:s13], [sflag:$0x1] =	stream.indirect.gather [hbm4b:s2+s4], $0x1, s12, s4, $0xb8;
	[tilespmem:$0x400] =	vst v63  }
0x22: {  	s14 =	simm.s32 $0x100;
	s15 =	simm.s32 $0x300  }
0x23: {  	[tilespmem:s15], [sflag:$0x1] =	stream.indirect.gather [hbm4b:s2+s4], $0x1, s14, s4, $0xb8;
	[tilespmem:$0x400] =	vst v63  }
0x24: {  	s16 =	simm.s32 $0x120;
	s17 =	simm.s32 $0x320  }
0x25: {  	[tilespmem:s17], [sflag:$0x1] =	stream.indirect.gather [hbm4b:s2+s4], $0x1, s16, s4, $0xb8;
	[tilespmem:$0x400] =	vst v63  }
0x26: {  	s18 =	simm.s32 $0x140;
	s19 =	simm.s32 $0x340  }
0x27: {  	[tilespmem:s19], [sflag:$0x1] =	stream.indirect.gather [hbm4b:s2+s4], $0x1, s18, s4, $0xb8;
	[tilespmem:$0x400] =	vst v63  }
0x28: {  	s20 =	simm.s32 $0x160;
	s21 =	simm.s32 $0x360  }
0x29: {  	[tilespmem:s21], [sflag:$0x1] =	stream.indirect.gather [hbm4b:s2+s4], $0x1, s20, s4, $0xb8;
	[tilespmem:$0x400] =	vst v63  }
0x2a: {  	s23 =	simm.s32 $0x380;
	s22 =	simm.s32 $0x180  }
0x2b: {  	[tilespmem:s23], [sflag:$0x1] =	stream.indirect.gather [hbm4b:s2+s4], $0x1, s22, s4, $0xb8;
	[tilespmem:$0x400] =	vst v63  }
0x2c: {  	s24 =	simm.s32 $0x1A0;
	s25 =	simm.s32 $0x3A0  }
0x2d: {  	[tilespmem:s25], [sflag:$0x1] =	stream.indirect.gather [hbm4b:s2+s4], $0x1, s24, s4, $0xb8;
	[tilespmem:$0x400] =	vst v63  }
0x2e: {  	s28 =	simm.s32 $0x3C0;
	s26 =	simm.s32 $0x1C0  }
0x2f: {  	[tilespmem:s28], [sflag:$0x1] =	stream.indirect.gather [hbm4b:s2+s4], $0x1, s26, s4, $0xb8;
	[tilespmem:$0x400] =	vst v63  }
0x30: {  	s29 =	simm.s32 $0x1E0;
	s30 =	simm.s32 $0x3E0;
	s31 =	simm.s32 $0x1  }
0x31: {  	[tilespmem:s30], [sflag:$0x1] =	stream.indirect.gather [hbm4b:s2+s4], $0x1, s29, s4, $0xb8;
	[tilespmem:$0x400] =	vst v63  }
0x32: {  	_ =	swait.ge [sflag:s31], $0x20  }
0x33: {  	[sflag:s31] =	ssyncset.done $0x0  }
0x34: {  	[sflag:s31] =	ssyncadd.s32 $0xFFFFFFE0  }
0x35: {  	_ =	swait.ge [sflag:s31], $0x20  }
0x36: {  	[sflag:s31] =	ssyncset.done $0x0  }
0x37: {  	[sflag:s31] =	ssyncadd.s32 $0xFFFFFFE0  }
0x38: {  	_ =	swait.ge [sflag:s31], $0x20  }
0x39: {  	[sflag:s31] =	ssyncset.done $0x0  }
0x3a: {  	[sflag:s31] =	ssyncadd.s32 $0xFFFFFFE0  }
0x3b: {  	_ =	swait.ge [sflag:s31], $0x20  }
0x3c: {  	[sflag:s31] =	ssyncset.done $0x0  }
0x3d: {  	[sflag:s31] =	ssyncadd.s32 $0xFFFFFFE0  }
0x3e: {  	_ =	swait.ge [sflag:s31], $0x20  }
0x3f: {  	[sflag:s31] =	ssyncset.done $0x0  }
0x40: {  	[sflag:s31] =	ssyncadd.s32 $0xFFFFFFE0  }
0x41: {  	_ =	swait.ge [sflag:s31], $0x20  }
0x42: {  	[sflag:s31] =	ssyncset.done $0x0  }
0x43: {  	[sflag:s31] =	ssyncadd.s32 $0xFFFFFFE0  }
0x44: {  	_ =	swait.ge [sflag:s31], $0x20  }
0x45: {  	[sflag:s31] =	ssyncset.done $0x0  }
0x46: {  	[sflag:s31] =	ssyncadd.s32 $0xFFFFFFE0  }
0x47: {  	_ =	swait.ge [sflag:s31], $0x20  }
0x48: {  	[sflag:s31] =	ssyncset.done $0x0  }
0x49: {  	[sflag:s31] =	ssyncadd.s32 $0xFFFFFFE0  }
0x4a: {  	_ =	swait.ge [sflag:s31], $0x20  }
0x4b: {  	[sflag:s31] =	ssyncset.done $0x0  }
0x4c: {  	[sflag:s31] =	ssyncadd.s32 $0xFFFFFFE0  }
0x4d: {  	_ =	swait.ge [sflag:s31], $0x20  }
0x4e: {  	[sflag:s31] =	ssyncset.done $0x0  }
0x4f: {  	[sflag:s31] =	ssyncadd.s32 $0xFFFFFFE0  }
0x50: {  	_ =	swait.ge [sflag:s31], $0x20  }
0x51: {  	[sflag:s31] =	ssyncset.done $0x0  }
0x52: {  	[sflag:s31] =	ssyncadd.s32 $0xFFFFFFE0  }
0x53: {  	_ =	swait.ge [sflag:s31], $0x20  }
0x54: {  	[sflag:s31] =	ssyncset.done $0x0  }
0x55: {  	[sflag:s31] =	ssyncadd.s32 $0xFFFFFFE0  }
0x56: {  	_ =	swait.ge [sflag:s31], $0x20  }
0x57: {  	[sflag:s31] =	ssyncset.done $0x0  }
0x58: {  	[sflag:s31] =	ssyncadd.s32 $0xFFFFFFE0  }
0x59: {  	s1 =	ssub.s32 $0x2, s1;
	_ =	swait.ge [sflag:s31], $0x20  }
0x5a: {  	s11 =	sshrl.u32 s1, $0x1;
	[sflag:s31] =	ssyncset.done $0x0  }
0x5b: {  	s0 =	ssub.s32 s1, s11;
	[sflag:s31] =	ssyncadd.s32 $0xFFFFFFE0  }
0x5c: {  	s0 =	smax.u32 s0, $0x1;
	_ =	swait.ge [sflag:s31], $0x20  }
0x5d: {  	p0 =	sne.s32 s0, $0x1;
	[sflag:s31] =	ssyncset.done $0x0  }
.Ltmp0:
0x5e: {  	[sflag:s31] =	ssyncadd.s32 $0xFFFFFFE0;
	(pc) =	sbr.rel @!p0 .LBB2_2-.Ltmp0, $4  }
0x5f: {  	_ =	swait.ge [sflag:s31], $0x20  }
0x60: {  	[sflag:s31] =	ssyncset.done $0x0  }
0x61: {  	s1 =	sadd.s32 $0xFFFFFFFF, s0;
	s10 =	rddreg [dreg:$0x4];
	[sflag:s31] =	ssyncadd.s32 $0xFFFFFFE0  }
0x62: {  	[hbm4b:s10+s4] =	stream.strided.scatter [tilespmem:s7], [sflag:$0x2], $0x200, s6, s4, $0x38;
	[tilespmem:$0x400] =	vst v63  }
.LBB2_1:
0x63: {  	_ =	swait.ge [sflag:s5], $0x200  }
0x64: {  	[sflag:s5] =	ssyncset.done $0x0  }
0x65: {  	s0 =	rddreg [dreg:$0x3];
	[sflag:s5] =	ssyncadd.s32 $0xFFFFFE00  }
0x66: {  	[tilespmem:s3], [sflag:$0x2] =	stream.strided.gather [hbm4b:s0+s4], $0x200, s6, s4, $0x38;
	[tilespmem:$0x400] =	vst v63  }
0x67: {  	_ =	swait.ge [sflag:s5], $0x200  }
0x68: {  	s0 =	rddreg [dreg:$0xb]  }
0x69: {  	[sflag:s5] =	ssyncset.done $0x0;
	s8 =	rddreg [dreg:$0x6]  }
0x6a: {  	s9 =	rddreg [dreg:$0x5];
	[sflag:s5] =	ssyncadd.s32 $0xFFFFFE00  }
0x6b: {  	[tilespmem:s7], [sflag:$0x1] =	stream.indirect.gather [hbm4b:s2+s4], $0x1, s3, s4, $0xb8;
	[tilespmem:$0x400] =	vst v63  }
0x6c: {  	s10 =	rddreg [dreg:$0x7]  }
0x6d: {  	[tilespmem:s9], [sflag:$0x1] =	stream.indirect.gather [hbm4b:s2+s4], $0x1, s4, s4, $0xb8;
	[tilespmem:$0x400] =	vst v63  }
0x6e: {  	s11 =	rddreg [dreg:$0x9]  }
0x6f: {  	[tilespmem:s10], [sflag:$0x1] =	stream.indirect.gather [hbm4b:s2+s4], $0x1, s8, s4, $0xb8;
	[tilespmem:$0x400] =	vst v63  }
0x70: {  	s9 =	rddreg [dreg:$0x8]  }
0x71: {  	[tilespmem:s11], [sflag:$0x1] =	stream.indirect.gather [hbm4b:s2+s4], $0x1, s9, s4, $0xb8;
	[tilespmem:$0x400] =	vst v63  }
0x72: {  	s10 =	rddreg [dreg:$0xa]  }
0x73: {  	[tilespmem:s0], [sflag:$0x1] =	stream.indirect.gather [hbm4b:s2+s4], $0x1, s10, s4, $0xb8;
	[tilespmem:$0x400] =	vst v63  }
0x74: {  	s11 =	simm.s32 $0x2A0;
	s10 =	simm.s32 $0xA0  }
0x75: {  	[tilespmem:s11], [sflag:$0x1] =	stream.indirect.gather [hbm4b:s2+s4], $0x1, s10, s4, $0xb8;
	[tilespmem:$0x400] =	vst v63  }
0x76: {  	s9 =	simm.s32 $0xC0;
	s10 =	simm.s32 $0x2C0  }
0x77: {  	[tilespmem:s10], [sflag:$0x1] =	stream.indirect.gather [hbm4b:s2+s4], $0x1, s9, s4, $0xb8;
	[tilespmem:$0x400] =	vst v63  }
0x78: {  	_ = 	snop  }
0x79: {  	[tilespmem:s13], [sflag:$0x1] =	stream.indirect.gather [hbm4b:s2+s4], $0x1, s12, s4, $0xb8;
	[tilespmem:$0x400] =	vst v63  }
0x7a: {  	_ = 	snop  }
0x7b: {  	[tilespmem:s15], [sflag:$0x1] =	stream.indirect.gather [hbm4b:s2+s4], $0x1, s14, s4, $0xb8;
	[tilespmem:$0x400] =	vst v63  }
0x7c: {  	_ = 	snop  }
0x7d: {  	[tilespmem:s17], [sflag:$0x1] =	stream.indirect.gather [hbm4b:s2+s4], $0x1, s16, s4, $0xb8;
	[tilespmem:$0x400] =	vst v63  }
0x7e: {  	_ = 	snop  }
0x7f: {  	[tilespmem:s19], [sflag:$0x1] =	stream.indirect.gather [hbm4b:s2+s4], $0x1, s18, s4, $0xb8;
	[tilespmem:$0x400] =	vst v63  }
0x80: {  	_ = 	snop  }
0x81: {  	[tilespmem:s21], [sflag:$0x1] =	stream.indirect.gather [hbm4b:s2+s4], $0x1, s20, s4, $0xb8;
	[tilespmem:$0x400] =	vst v63  }
0x82: {  	_ = 	snop  }
0x83: {  	[tilespmem:s23], [sflag:$0x1] =	stream.indirect.gather [hbm4b:s2+s4], $0x1, s22, s4, $0xb8;
	[tilespmem:$0x400] =	vst v63  }
0x84: {  	_ = 	snop  }
0x85: {  	[tilespmem:s25], [sflag:$0x1] =	stream.indirect.gather [hbm4b:s2+s4], $0x1, s24, s4, $0xb8;
	[tilespmem:$0x400] =	vst v63  }
0x86: {  	_ = 	snop  }
0x87: {  	[tilespmem:s28], [sflag:$0x1] =	stream.indirect.gather [hbm4b:s2+s4], $0x1, s26, s4, $0xb8;
	[tilespmem:$0x400] =	vst v63  }
0x88: {  	_ = 	snop  }
0x89: {  	[tilespmem:s30], [sflag:$0x1] =	stream.indirect.gather [hbm4b:s2+s4], $0x1, s29, s4, $0xb8;
	[tilespmem:$0x400] =	vst v63  }
0x8a: {  	_ =	swait.ge [sflag:s31], $0x20  }
0x8b: {  	[sflag:s31] =	ssyncset.done $0x0  }
0x8c: {  	[sflag:s31] =	ssyncadd.s32 $0xFFFFFFE0  }
0x8d: {  	_ =	swait.ge [sflag:s31], $0x20  }
0x8e: {  	[sflag:s31] =	ssyncset.done $0x0  }
0x8f: {  	[sflag:s31] =	ssyncadd.s32 $0xFFFFFFE0  }
0x90: {  	_ =	swait.ge [sflag:s31], $0x20  }
0x91: {  	[sflag:s31] =	ssyncset.done $0x0  }
0x92: {  	[sflag:s31] =	ssyncadd.s32 $0xFFFFFFE0  }
0x93: {  	_ =	swait.ge [sflag:s31], $0x20  }
0x94: {  	[sflag:s31] =	ssyncset.done $0x0  }
0x95: {  	[sflag:s31] =	ssyncadd.s32 $0xFFFFFFE0  }
0x96: {  	_ =	swait.ge [sflag:s31], $0x20  }
0x97: {  	[sflag:s31] =	ssyncset.done $0x0  }
0x98: {  	[sflag:s31] =	ssyncadd.s32 $0xFFFFFFE0  }
0x99: {  	_ =	swait.ge [sflag:s31], $0x20  }
0x9a: {  	[sflag:s31] =	ssyncset.done $0x0  }
0x9b: {  	[sflag:s31] =	ssyncadd.s32 $0xFFFFFFE0  }
0x9c: {  	_ =	swait.ge [sflag:s31], $0x20  }
0x9d: {  	[sflag:s31] =	ssyncset.done $0x0  }
0x9e: {  	[sflag:s31] =	ssyncadd.s32 $0xFFFFFFE0  }
0x9f: {  	_ =	swait.ge [sflag:s31], $0x20  }
0xa0: {  	[sflag:s31] =	ssyncset.done $0x0  }
0xa1: {  	[sflag:s31] =	ssyncadd.s32 $0xFFFFFFE0  }
0xa2: {  	_ =	swait.ge [sflag:s31], $0x20  }
0xa3: {  	[sflag:s31] =	ssyncset.done $0x0  }
0xa4: {  	[sflag:s31] =	ssyncadd.s32 $0xFFFFFFE0  }
0xa5: {  	_ =	swait.ge [sflag:s31], $0x20  }
0xa6: {  	[sflag:s31] =	ssyncset.done $0x0  }
0xa7: {  	[sflag:s31] =	ssyncadd.s32 $0xFFFFFFE0  }
0xa8: {  	_ =	swait.ge [sflag:s31], $0x20  }
0xa9: {  	[sflag:s31] =	ssyncset.done $0x0  }
0xaa: {  	[sflag:s31] =	ssyncadd.s32 $0xFFFFFFE0  }
0xab: {  	_ =	swait.ge [sflag:s31], $0x20  }
0xac: {  	[sflag:s31] =	ssyncset.done $0x0  }
0xad: {  	[sflag:s31] =	ssyncadd.s32 $0xFFFFFFE0  }
0xae: {  	_ =	swait.ge [sflag:s31], $0x20  }
0xaf: {  	[sflag:s31] =	ssyncset.done $0x0  }
0xb0: {  	[sflag:s31] =	ssyncadd.s32 $0xFFFFFFE0  }
0xb1: {  	_ =	swait.ge [sflag:s31], $0x20  }
0xb2: {  	[sflag:s31] =	ssyncset.done $0x0  }
0xb3: {  	[sflag:s31] =	ssyncadd.s32 $0xFFFFFFE0  }
0xb4: {  	_ =	swait.ge [sflag:s31], $0x20  }
0xb5: {  	p0 =	sne.s32 s1, $0x1;
	[sflag:s31] =	ssyncset.done $0x0  }
.Ltmp1:
0xb6: {  	[sflag:s31] =	ssyncadd.s32 $0xFFFFFFE0;
	(pc) =	sbr.rel @p0 .LBB2_1-.Ltmp1, $4  }
0xb7: {  	_ =	swait.ge [sflag:s31], $0x20  }
0xb8: {  	[sflag:s31] =	ssyncset.done $0x0  }
0xb9: {  	s1 =	sadd.s32 $0xFFFFFFFF, s1;
	s11 =	rddreg [dreg:$0x4];
	[sflag:s31] =	ssyncadd.s32 $0xFFFFFFE0  }
0xba: {  	[hbm4b:s11+s4] =	stream.strided.scatter [tilespmem:s7], [sflag:$0x2], $0x200, s6, s4, $0x38;
	[tilespmem:$0x400] =	vst v63  }
.LBB2_2:
0xbb: {  	_ =	swait.ge [sflag:s5], $0x200  }
0xbc: {  	[sflag:s5] =	ssyncset.done $0x0  }
0xbd: {  	[sflag:s5] =	ssyncadd.s32 $0xFFFFFE00  }
0xbe: {  	_ =	sfence.sel $0x180000  }
0xbf: {  	[bflag:$0x0] =	sbarrier.arrive $0xFFFF  }
0xc0: {  	_ =	strace $0x90000047  }
0xc1: {  	s0 =	stileid.u32;
	[bflag:$0x2] =	sbarrier.arrive $0xFFFF  }
0xc2: {  	p0 =	sne.s32 s0, $0x0;
	s0 =	rddreg [dreg:$0x2]  }
0xc3: {  	s0 =	sadd.s32 @!p0 $0x100000, s0  }
0xc4: {  	[sflag:s0] =	ssyncadd.tile.s32 @!p0 $0x1;
	_ =	shalt  }
.Lfunc_end2:
_tile_overlayer_lowered:
.L_overlay_start_2:
0xc5: {  	(tag) =	ssettag $0x2  }
0xc6: {  	s0 =	rddreg [dreg:$0x0];
	s2 =	stileid.u32  }
0xc7: {  	s1 =	rddreg [dreg:$0x1];
	p0 =	sne.s32 s2, $0x0  }
0xc8: {  	s3 =	rddreg [dreg:$0x2];
	[bflag:$0x3] =	sbarrier.arrive $0xFFFF;
	s2 =	simm.s32 @!p0 $0x1C02  }
0xc9: {  	[timem:s3], [sflag:s2] =	dma.local @!p0 [hbm:s0], s1  }
0xca: {  	s0 =	simm.s32 @!p0 $0x2  }
0xcb: {  	_ =	swait.ge @!p0 [sflag:s0], s1  }
0xcc: {  	s1 =	ssub.s32 @!p0 $0x0, s1;
	[sflag:s0] =	ssyncset.done @!p0 $0x0  }
0xcd: {  	[sflag:s0] =	ssyncadd.s32 @!p0 s1  }
0xce: {  	[bflag:$0x3] =	sbarrier.arrive $0xFFFF  }
0xcf: {  	_ =	shalt  }

</sc_bundles>
